<compile_context>
chip_gen: v7x
topology: tpu7x:2x2x1
jax: 0.10.2.dev20260603
libtpu: 0.0.44.dev20260713+nightly
codegen_flags: <defaults>
</compile_context>

<pallas_src>
import functools

import jax
import jax.numpy as jnp
from jax import lax
from jax.experimental import pallas as pl
from jax.experimental.pallas import tpu as pltpu
from jax.experimental.pallas import tpu_sc as plsc

NC = 2
NS = 16
LANES = 16

CHUNK = 128


def _sc_mesh():
    return plsc.VectorSubcoreMesh(
        core_axis_name="c", subcore_axis_name="s", num_cores=NC, num_subcores=NS
    )


def _degree_kernel(n_nodes, n_chunks):
    acc_len = n_nodes + CHUNK

    @functools.partial(
        pl.kernel,
        out_type=jax.ShapeDtypeStruct((NC * n_nodes,), jnp.float32),
        mesh=_sc_mesh(),
        scratch_types=[
            pltpu.VMEM((n_chunks, CHUNK), jnp.int32),
            pltpu.VMEM((CHUNK,), jnp.float32),
            pltpu.VMEM((1024,), jnp.float32),
            pltpu.VMEM_SHARED((acc_len,), jnp.float32),
            pltpu.SemaphoreType.DMA,
        ],
    )
    def deg_kernel(dst3_hbm, out_hbm, didx, ones_v, zbuf, acc_sh, sem):
        c = lax.axis_index("c")
        s = lax.axis_index("s")
        tile = c * NS + s

        pltpu.sync_copy(dst3_hbm.at[tile], didx)

        def fill_ones(i, _):
            ones_v[pl.ds(i * LANES, LANES)] = jnp.ones((LANES,), jnp.float32)
            return 0
        lax.fori_loop(0, CHUNK // LANES, fill_ones, 0)

        def fill_zero(i, _):
            zbuf[pl.ds(i * LANES, LANES)] = jnp.zeros((LANES,), jnp.float32)
            return 0
        lax.fori_loop(0, 1024 // LANES, fill_zero, 0)

        @pl.when(s == 0)
        def _():
            n_z = n_nodes // 1024

            def zero_acc(i, _):
                pltpu.sync_copy(zbuf, acc_sh.at[pl.ds(i * 1024, 1024)])
                return 0
            lax.fori_loop(0, n_z, zero_acc, 0)
            rem = n_nodes - n_z * 1024
            if rem:
                pltpu.sync_copy(
                    zbuf.at[pl.ds(0, rem)], acc_sh.at[pl.ds(n_z * 1024, rem)]
                )

        plsc.subcore_barrier()

        def fire(j, _):
            pltpu.async_copy(ones_v, acc_sh.at[didx.at[j]], sem, add=True)
            return 0
        lax.fori_loop(0, n_chunks, fire, 0)

        def drain(j, _):
            pltpu.make_async_copy(ones_v, acc_sh.at[didx.at[0]], sem).wait()
            return 0
        lax.fori_loop(0, n_chunks, drain, 0)

        plsc.subcore_barrier()

        n_oc = n_nodes // 1024
        oc_per_tile = (n_oc + NS - 1) // NS

        def copy_out(i, _):
            k = s + i * NS

            @pl.when(k < n_oc)
            def _():
                pltpu.sync_copy(acc_sh.at[pl.ds(k * 1024, 1024)], zbuf)
                pltpu.sync_copy(
                    zbuf, out_hbm.at[pl.ds(c * n_nodes + k * 1024, 1024)]
                )
            return 0
        lax.fori_loop(0, oc_per_tile, copy_out, 0)
        rem = n_nodes - n_oc * 1024
        if rem:
            @pl.when(s == NS - 1)
            def _():
                pltpu.sync_copy(acc_sh.at[pl.ds(n_oc * 1024, rem)], zbuf.at[pl.ds(0, rem)])
                pltpu.sync_copy(
                    zbuf.at[pl.ds(0, rem)],
                    out_hbm.at[pl.ds(c * n_nodes + n_oc * 1024, rem)],
                )

    return deg_kernel


def _scatter_kernel(n_nodes, n_edges, d):
    edges_per_tile = n_edges // (NC * NS)
    n_full = edges_per_tile // CHUNK
    tail = edges_per_tile - n_full * CHUNK
    n_row_chunks = n_nodes // CHUNK
    row_tail = n_nodes - n_row_chunks * CHUNK
    chunks_per_tile = (n_row_chunks + NS - 1) // NS

    @functools.partial(
        pl.kernel,
        out_type=jax.ShapeDtypeStruct((NC * n_nodes, d), jnp.float32),
        mesh=_sc_mesh(),
        scratch_types=[
            pltpu.VMEM((CHUNK,), jnp.int32),
            pltpu.VMEM((CHUNK,), jnp.int32),
            pltpu.VMEM((CHUNK,), jnp.int32),
            pltpu.VMEM((CHUNK,), jnp.int32),
            pltpu.VMEM((CHUNK,), jnp.int32),
            pltpu.VMEM((CHUNK,), jnp.int32),
            pltpu.VMEM((CHUNK, d), jnp.float32),
            pltpu.VMEM((CHUNK, d), jnp.float32),
            pltpu.VMEM((CHUNK, d), jnp.float32),
            pltpu.VMEM((16,), jnp.int32),
            pltpu.VMEM((16,), jnp.int32),
            pltpu.VMEM_SHARED((n_nodes, d), jnp.float32),
            pltpu.SemaphoreType.DMA,
            pltpu.SemaphoreType.DMA,
        ],
    )
    def scat_kernel(src_hbm, dst_hbm, g_hbm, out_hbm,
                    sidx_a, didx_a, sidx_b, didx_b, sidx_c, didx_c,
                    rows_a, rows_b, rows_c,
                    sidx_t, didx_t, acc_sh, sem, ssem):
        c = lax.axis_index("c")
        s = lax.axis_index("s")
        tile = c * NS + s
        base = tile * edges_per_tile

        def fill_row(i, _):
            def fill_lane(j, _):
                rows_a[i, pl.ds(j * LANES, LANES)] = jnp.zeros((LANES,), jnp.float32)
                return 0
            lax.fori_loop(0, d // LANES, fill_lane, 0)
            return 0
        lax.fori_loop(0, CHUNK, fill_row, 0)

        def zero_rows(i, _):
            k = s + i * NS

            @pl.when(k < n_row_chunks)
            def _():
                pltpu.sync_copy(rows_a, acc_sh.at[pl.ds(k * CHUNK, CHUNK)])
            return 0
        lax.fori_loop(0, chunks_per_tile, zero_rows, 0)
        if row_tail:
            @pl.when(s == 0)
            def _():
                pltpu.sync_copy(
                    rows_a.at[pl.ds(0, row_tail)],
                    acc_sh.at[pl.ds(n_row_chunks * CHUNK, row_tail)],
                )

        plsc.subcore_barrier()

        def wait_gather(buf):
            pltpu.make_async_copy(g_hbm.at[pl.ds(0, CHUNK)], buf, sem).wait()

        def wait_scatter(buf, didx):
            pltpu.make_async_copy(buf, acc_sh.at[didx], ssem).wait()

        assert n_full % 3 == 0
        pltpu.sync_copy(src_hbm.at[pl.ds(base, CHUNK)], sidx_a)
        pltpu.async_copy(g_hbm.at[sidx_a], rows_a, sem)
        pltpu.sync_copy(src_hbm.at[pl.ds(base + CHUNK, CHUNK)], sidx_b)
        pltpu.async_copy(g_hbm.at[sidx_b], rows_b, sem)

        def body(i, _):
            j0 = base + (3 * i) * CHUNK
            j1 = base + (3 * i + 1) * CHUNK
            j2 = base + (3 * i + 2) * CHUNK
            pltpu.sync_copy(dst_hbm.at[pl.ds(j0, CHUNK)], didx_a)
            wait_gather(rows_a)
            pltpu.async_copy(rows_a, acc_sh.at[didx_a], ssem, add=True)
            pltpu.sync_copy(dst_hbm.at[pl.ds(j1, CHUNK)], didx_b)
            wait_gather(rows_b)
            pltpu.async_copy(rows_b, acc_sh.at[didx_b], ssem, add=True)
            @pl.when(i > 0)
            def _():
                wait_scatter(rows_c, didx_c)
            pltpu.sync_copy(src_hbm.at[pl.ds(j2, CHUNK)], sidx_c)
            pltpu.async_copy(g_hbm.at[sidx_c], rows_c, sem)
            wait_scatter(rows_a, didx_a)

            @pl.when(3 * i + 3 < n_full)
            def _():
                pltpu.sync_copy(src_hbm.at[pl.ds(j2 + CHUNK, CHUNK)], sidx_a)
                pltpu.async_copy(g_hbm.at[sidx_a], rows_a, sem)
            pltpu.sync_copy(dst_hbm.at[pl.ds(j2, CHUNK)], didx_c)
            wait_gather(rows_c)
            pltpu.async_copy(rows_c, acc_sh.at[didx_c], ssem, add=True)
            wait_scatter(rows_b, didx_b)

            @pl.when(3 * i + 4 < n_full)
            def _():
                pltpu.sync_copy(
                    src_hbm.at[pl.ds(j2 + 2 * CHUNK, CHUNK)], sidx_b
                )
                pltpu.async_copy(g_hbm.at[sidx_b], rows_b, sem)
            return 0
        lax.fori_loop(0, n_full // 3, body, 0)
        wait_scatter(rows_c, didx_c)

        if tail:
            off = base + n_full * CHUNK
            pltpu.sync_copy(src_hbm.at[pl.ds(off, tail)], sidx_t)
            pltpu.sync_copy(dst_hbm.at[pl.ds(off, tail)], didx_t)
            pltpu.async_copy(
                g_hbm.at[sidx_t], rows_a.at[pl.ds(0, tail)], sem
            ).wait()
            pltpu.sync_copy(rows_a.at[pl.ds(0, tail)], acc_sh.at[didx_t],
                            add=True)

        plsc.subcore_barrier()

        out_base = c * n_nodes

        def copy_out(i, _):
            k = s + i * NS

            @pl.when(k < n_row_chunks)
            def _():
                pltpu.sync_copy(
                    acc_sh.at[pl.ds(k * CHUNK, CHUNK)],
                    out_hbm.at[pl.ds(out_base + k * CHUNK, CHUNK)],
                )
            return 0
        lax.fori_loop(0, chunks_per_tile, copy_out, 0)
        if row_tail:
            @pl.when(s == 0)
            def _():
                pltpu.sync_copy(
                    acc_sh.at[pl.ds(n_row_chunks * CHUNK, row_tail)],
                    out_hbm.at[pl.ds(out_base + n_row_chunks * CHUNK, row_tail)],
                )

    return scat_kernel


def _gW_body(x_ref, w_ref, degp_ref, g_ref):
    n = x_ref.shape[0]
    h = jnp.dot(x_ref[...], w_ref[...], preferred_element_type=jnp.float32)
    deg = degp_ref[0:n] + degp_ref[n:2 * n] + 1.0
    dis = lax.rsqrt(deg)
    g_ref[...] = h * dis[:, None]


def _epilogue_body(s_ref, g_ref, degp_ref, b_ref, gamma_ref, beta_ref, y_ref):
    n = g_ref.shape[0]
    deg = degp_ref[0:n] + degp_ref[n:2 * n] + 1.0
    dis = lax.rsqrt(deg)
    total = s_ref[0:n, :] + s_ref[n:2 * n, :] + g_ref[...]
    out = total * dis[:, None] + b_ref[...][None, :]
    mean = jnp.mean(out, axis=0)
    var = jnp.mean((out - mean[None, :]) ** 2, axis=0)
    y = gamma_ref[...][None, :] * (out - mean[None, :]) * lax.rsqrt(
        var[None, :] + 1e-5
    ) + beta_ref[...][None, :]
    y_ref[...] = jnp.maximum(y, 0.0)


def kernel(x, edge_index, W, b, gamma, beta):
    n_nodes, d_in = x.shape
    d_out = W.shape[1]
    n_edges = edge_index.shape[1]
    src = edge_index[0]
    dst = edge_index[1]

    n_tiles = NC * NS
    dst_deg = dst
    n_edges_deg = n_edges
    if n_edges_deg % n_tiles:
        flat_pad = n_tiles - n_edges_deg % n_tiles
        dst_deg = jnp.concatenate(
            [dst_deg, jnp.full((flat_pad,), n_nodes, jnp.int32)]
        )
        n_edges_deg += flat_pad
    per_tile = n_edges_deg // n_tiles
    n_chunks_deg = -(-per_tile // CHUNK)
    pad_pt = n_chunks_deg * CHUNK - per_tile
    dummy = n_nodes + jnp.arange(pad_pt, dtype=jnp.int32) % CHUNK
    dst3 = jnp.concatenate(
        [dst_deg.reshape(n_tiles, per_tile),
         jnp.broadcast_to(dummy[None, :], (n_tiles, pad_pt))], axis=1
    ).reshape(n_tiles, n_chunks_deg, CHUNK)

    degp = _degree_kernel(n_nodes, n_chunks_deg)(dst3)

    g = pl.pallas_call(
        _gW_body,
        out_shape=jax.ShapeDtypeStruct((n_nodes, d_out), jnp.float32),
    )(x, W, degp)

    s_partial = _scatter_kernel(n_nodes, n_edges, d_out)(src, dst, g)

    y = pl.pallas_call(
        _epilogue_body,
        out_shape=jax.ShapeDtypeStruct((n_nodes, d_out), jnp.float32),
    )(s_partial, g, degp, b, gamma, beta)
    return y

# --- scband reference (transcript-rebuilt; emitter-appended) ---
"""Pipeline reference for scband-graph-conv-layer-22840636080817 (READ-ONLY COPY).

The authoritative reference and input builder live on the scoring server;
editing this copy changes nothing except your own understanding.
"""

import jax, jax.numpy as jnp
import numpy as np

N = 10000
E = 320000
D_IN = 128
D_OUT = 128


def setup_inputs(seed: int = 0) -> dict:
    key = jax.random.key(seed)
    k1, k2, k3, k4, k5, k6 = jax.random.split(key, 6)
    x = jax.random.normal(k1, (N, D_IN), dtype=jnp.float32)
    edge_index = jax.random.randint(k2, (2, E), 0, N, dtype=jnp.int32)
    # GCNConv linear weight (glorot-style scale) and bias
    W = jax.random.normal(k3, (D_IN, D_OUT), dtype=jnp.float32) * (1.0 / np.sqrt(D_IN))
    b = jnp.zeros((D_OUT,), dtype=jnp.float32)
    # BatchNorm1d affine params
    gamma = jnp.ones((D_OUT,), dtype=jnp.float32)
    beta = jnp.zeros((D_OUT,), dtype=jnp.float32)
    return {"x": x, "edge_index": edge_index, "W": W, "b": b, "gamma": gamma, "beta": beta}


def reference(x, edge_index, W, b, gamma, beta):
    # --- GCNConv: symmetric normalization with added self-loops ---
    src = edge_index[0]
    dst = edge_index[1]
    loop = jnp.arange(N, dtype=edge_index.dtype)
    src = jnp.concatenate([src, loop])
    dst = jnp.concatenate([dst, loop])
    # linear transform first (out_channels <= in_channels path in PyG)
    h = x @ W
    # degree computed on destination nodes (with self-loops)
    deg = jax.ops.segment_sum(jnp.ones(src.shape[0], dtype=h.dtype), dst, num_segments=N)
    deg_inv_sqrt = jnp.where(deg > 0, jax.lax.rsqrt(deg), 0.0)
    norm = deg_inv_sqrt[src] * deg_inv_sqrt[dst]
    # gather messages from src, scale, scatter-add to dst
    msg = h[src] * norm[:, None]
    out = jax.ops.segment_sum(msg, dst, num_segments=N)
    out = out + b
    # --- BatchNorm1d (training-mode batch statistics, eps=1e-5) ---
    mean = jnp.mean(out, axis=0)
    var = jnp.var(out, axis=0)
    y = gamma * (out - mean) / jnp.sqrt(var + 1e-5) + beta
    # --- ReLU (dropout is identity in eval mode) ---
    return jax.nn.relu(y)

if __name__ == "__main__":
    import jax
    _d = setup_inputs()
    print(jax.jit(kernel)(*tuple(_d.values())))

</pallas_src>

<mosaic_0001>
#map = affine_map<(d0, d1) -> (0, 0, 0)>
#map1 = affine_map<(d0, d1) -> (0)>
module attributes {stable_mosaic.version = 14 : i64} {
  func.func @deg_kernel(%arg0: i32, %arg1: i32, %arg2: memref<32x79x128xi32, #tpu.memory_space<hbm>>, %arg3: memref<20000xf32, #tpu.memory_space<hbm>>, %arg4: memref<79x128xi32, #tpu.memory_space<vmem>>, %arg5: memref<128xf32, #tpu.memory_space<vmem>>, %arg6: memref<1024xf32, #tpu.memory_space<vmem>>, %arg7: memref<10128xf32, #tpu.memory_space<vmem_shared>>, %arg8: memref<!tpu.dma_semaphore, #tpu.memory_space<semaphore_mem>>) attributes {dimension_semantics = [#tpu.dimension_semantics<core_parallel>, #tpu.dimension_semantics<subcore_parallel>], iteration_bounds = array<i64: 2, 16>, scalar_prefetch = 0 : i64, scratch_operands = 5 : i64, tpu.core_type = #tpu.core_type<sc_vector_subcore>, window_params = [{transform_indices = #map}, {transform_indices = #map1}]} {
    %mul3A = arith.constant 16 : i32
    %mul3A_0 = arith.muli %arg0, %mul3A : i32
    %add3A = arith.addi %mul3A_0, %arg1 : i32
    "tpu.region"() ({
      %run_scoped3A = tpu.sem_alloc : memref<!tpu.dma_semaphore, #tpu.memory_space<semaphore_mem>>
      %dma_start3A = arith.constant 0 : i32
      %dma_start3A_47 = arith.constant 0 : i32
      %dma_start3A_48 = tpu.memref_slice %arg2[%add3A, %dma_start3A, %dma_start3A_47] : memref<32x79x128xi32, #tpu.memory_space<hbm>> -> memref<1x79x128xi32, #tpu.memory_space<hbm>>
      %dma_start3A_49 = tpu.memref_squeeze %dma_start3A_48 : memref<1x79x128xi32, #tpu.memory_space<hbm>> -> memref<79x128xi32, #tpu.memory_space<hbm>>
      %dma_start3A_50 = arith.constant 0 : i32
      %dma_start3A_51 = arith.constant 0 : i32
      %dma_start3A_52 = tpu.memref_slice %arg2[%add3A, %dma_start3A_50, %dma_start3A_51] : memref<32x79x128xi32, #tpu.memory_space<hbm>> -> memref<1x79x128xi32, #tpu.memory_space<hbm>>
      %dma_start3A_53 = tpu.memref_squeeze %dma_start3A_52 : memref<1x79x128xi32, #tpu.memory_space<hbm>> -> memref<79x128xi32, #tpu.memory_space<hbm>>
      tpu.enqueue_dma source(%dma_start3A_53 : memref<79x128xi32, #tpu.memory_space<hbm>>) target(%arg4 : memref<79x128xi32, #tpu.memory_space<vmem>>) target_semaphore(%run_scoped3A : memref<!tpu.dma_semaphore, #tpu.memory_space<semaphore_mem>>)
      %dma_wait3A = arith.constant 0 : i32
      %dma_wait3A_54 = arith.constant 0 : i32
      %dma_wait3A_55 = tpu.memref_slice %arg2[%add3A, %dma_wait3A, %dma_wait3A_54] : memref<32x79x128xi32, #tpu.memory_space<hbm>> -> memref<1x79x128xi32, #tpu.memory_space<hbm>>
      %dma_wait3A_56 = tpu.memref_squeeze %dma_wait3A_55 : memref<1x79x128xi32, #tpu.memory_space<hbm>> -> memref<79x128xi32, #tpu.memory_space<hbm>>
      %dma_wait3A_57 = arith.constant 0 : i32
      %dma_wait3A_58 = arith.constant 0 : i32
      %dma_wait3A_59 = tpu.memref_slice %arg2[%add3A, %dma_wait3A_57, %dma_wait3A_58] : memref<32x79x128xi32, #tpu.memory_space<hbm>> -> memref<1x79x128xi32, #tpu.memory_space<hbm>>
      %dma_wait3A_60 = tpu.memref_squeeze %dma_wait3A_59 : memref<1x79x128xi32, #tpu.memory_space<hbm>> -> memref<79x128xi32, #tpu.memory_space<hbm>>
      tpu.wait_dma2 semaphore(%run_scoped3A : memref<!tpu.dma_semaphore, #tpu.memory_space<semaphore_mem>>) src(%dma_wait3A_60 : memref<79x128xi32, #tpu.memory_space<hbm>>) dst(%arg4 : memref<79x128xi32, #tpu.memory_space<vmem>>)
      tpu.yield
    }) : () -> ()
    %scan3A = arith.constant 0 : i32
    %scan3A_1 = arith.constant 0 : i32
    %scan3A_2 = arith.constant 8 : i32
    %scan3A_3 = arith.addi %scan3A_1, %scan3A_2 : i32
    %scan3A_4 = arith.constant 1 : i32
    %scan3A_5 = scf.for %scan3A_47 = %scan3A_1 to %scan3A_3 step %scan3A_4 iter_args(%scan3A_48 = %scan3A) -> (i32)  : i32 {
      %broadcast_in_dim3A = arith.constant 1.000000e+00 : f32
      %broadcast_in_dim3A_49 = vector.broadcast %broadcast_in_dim3A : f32 to vector<16xf32>
      %mul3A_50 = arith.constant 16 : i32
      %mul3A_51 = arith.muli %scan3A_47, %mul3A_50 : i32
      %swap3A = arith.index_cast %mul3A_51 : i32 to index
      %swap3A_52 = tpu.vector_load %arg5[%swap3A] {strides = array<i32>} : memref<128xf32, #tpu.memory_space<vmem>>, vector<16xf32>,
      %swap3A_53 = vector.shape_cast %swap3A_52 : vector<16xf32> to vector<16xf32>
      %swap3A_54 = vector.shape_cast %broadcast_in_dim3A_49 : vector<16xf32> to vector<16xf32>
      tpu.vector_store %arg5[%swap3A], %swap3A_54 {strides = array<i32>} : memref<128xf32, #tpu.memory_space<vmem>>, vector<16xf32>,
      %scan3A_55 = arith.constant 0 : i32
      scf.yield %scan3A_55 : i32
    }
    %scan3A_6 = arith.constant 8 : i32
    %scan3A_7 = arith.constant 0 : i32
    %scan3A_8 = arith.constant 0 : i32
    %scan3A_9 = arith.constant 64 : i32
    %scan3A_10 = arith.addi %scan3A_8, %scan3A_9 : i32
    %scan3A_11 = arith.constant 1 : i32
    %scan3A_12 = scf.for %scan3A_47 = %scan3A_8 to %scan3A_10 step %scan3A_11 iter_args(%scan3A_48 = %scan3A_7) -> (i32)  : i32 {
      %broadcast_in_dim3A = arith.constant 0.000000e+00 : f32
      %broadcast_in_dim3A_49 = vector.broadcast %broadcast_in_dim3A : f32 to vector<16xf32>
      %mul3A_50 = arith.constant 16 : i32
      %mul3A_51 = arith.muli %scan3A_47, %mul3A_50 : i32
      %swap3A = arith.index_cast %mul3A_51 : i32 to index
      %swap3A_52 = tpu.vector_load %arg6[%swap3A] {strides = array<i32>} : memref<1024xf32, #tpu.memory_space<vmem>>, vector<16xf32>,
      %swap3A_53 = vector.shape_cast %swap3A_52 : vector<16xf32> to vector<16xf32>
      %swap3A_54 = vector.shape_cast %broadcast_in_dim3A_49 : vector<16xf32> to vector<16xf32>
      tpu.vector_store %arg6[%swap3A], %swap3A_54 {strides = array<i32>} : memref<1024xf32, #tpu.memory_space<vmem>>, vector<16xf32>,
      %scan3A_55 = arith.constant 0 : i32
      scf.yield %scan3A_55 : i32
    }
    %scan3A_13 = arith.constant 64 : i32
    %eq3A = arith.constant 0 : i32
    %eq3A_14 = arith.cmpi eq, %arg1, %eq3A : i32
    %convert_element_type3A = arith.extui %eq3A_14 : i1 to i32
    %cond3A = arith.constant 0 : i32
    %cond3A_15 = arith.cmpi ne, %convert_element_type3A, %cond3A : i32
    scf.if %cond3A_15 {
      %scan3A_47 = arith.constant 0 : i32
      %scan3A_48 = arith.constant 0 : i32
      %scan3A_49 = arith.constant 9 : i32
      %scan3A_50 = arith.addi %scan3A_48, %scan3A_49 : i32
      %scan3A_51 = arith.constant 1 : i32
      %scan3A_52 = scf.for %scan3A_54 = %scan3A_48 to %scan3A_50 step %scan3A_51 iter_args(%scan3A_55 = %scan3A_47) -> (i32)  : i32 {
        %mul3A_56 = arith.constant 1024 : i32
        %mul3A_57 = arith.muli %scan3A_54, %mul3A_56 : i32
        "tpu.region"() ({
          %run_scoped3A = tpu.sem_alloc : memref<!tpu.dma_semaphore, #tpu.memory_space<semaphore_mem>>
          %dma_start3A = tpu.memref_slice %arg7[%mul3A_57] : memref<10128xf32, #tpu.memory_space<vmem_shared>> -> memref<1024xf32, #tpu.memory_space<vmem_shared>>
          %dma_start3A_59 = tpu.memref_slice %arg7[%mul3A_57] : memref<10128xf32, #tpu.memory_space<vmem_shared>> -> memref<1024xf32, #tpu.memory_space<vmem_shared>>
          tpu.enqueue_dma source(%arg6 : memref<1024xf32, #tpu.memory_space<vmem>>) target(%dma_start3A_59 : memref<1024xf32, #tpu.memory_space<vmem_shared>>) target_semaphore(%run_scoped3A : memref<!tpu.dma_semaphore, #tpu.memory_space<semaphore_mem>>)
          %dma_wait3A = tpu.memref_slice %arg7[%mul3A_57] : memref<10128xf32, #tpu.memory_space<vmem_shared>> -> memref<1024xf32, #tpu.memory_space<vmem_shared>>
          %dma_wait3A_60 = tpu.memref_slice %arg7[%mul3A_57] : memref<10128xf32, #tpu.memory_space<vmem_shared>> -> memref<1024xf32, #tpu.memory_space<vmem_shared>>
          tpu.wait_dma2 semaphore(%run_scoped3A : memref<!tpu.dma_semaphore, #tpu.memory_space<semaphore_mem>>) src(%arg6 : memref<1024xf32, #tpu.memory_space<vmem>>) dst(%dma_wait3A_60 : memref<1024xf32, #tpu.memory_space<vmem_shared>>)
          tpu.yield
        }) : () -> ()
        %scan3A_58 = arith.constant 0 : i32
        scf.yield %scan3A_58 : i32
      }
      %scan3A_53 = arith.constant 9 : i32
      "tpu.region"() ({
        %run_scoped3A = tpu.sem_alloc : memref<!tpu.dma_semaphore, #tpu.memory_space<semaphore_mem>>
        %dma_start3A = arith.constant 0 : i32
        %dma_start3A_54 = tpu.memref_slice %arg6[%dma_start3A] : memref<1024xf32, #tpu.memory_space<vmem>> -> memref<784xf32, #tpu.memory_space<vmem>>
        %dma_start3A_55 = arith.constant 9216 : i32
        %dma_start3A_56 = tpu.memref_slice %arg7[%dma_start3A_55] : memref<10128xf32, #tpu.memory_space<vmem_shared>> -> memref<784xf32, #tpu.memory_space<vmem_shared>>
        %dma_start3A_57 = arith.constant 9216 : i32
        %dma_start3A_58 = tpu.memref_slice %arg7[%dma_start3A_57] : memref<10128xf32, #tpu.memory_space<vmem_shared>> -> memref<784xf32, #tpu.memory_space<vmem_shared>>
        %dma_start3A_59 = arith.constant 0 : i32
        %dma_start3A_60 = tpu.memref_slice %arg6[%dma_start3A_59] : memref<1024xf32, #tpu.memory_space<vmem>> -> memref<784xf32, #tpu.memory_space<vmem>>
        tpu.enqueue_dma source(%dma_start3A_60 : memref<784xf32, #tpu.memory_space<vmem>>) target(%dma_start3A_58 : memref<784xf32, #tpu.memory_space<vmem_shared>>) target_semaphore(%run_scoped3A : memref<!tpu.dma_semaphore, #tpu.memory_space<semaphore_mem>>)
        %dma_wait3A = arith.constant 0 : i32
        %dma_wait3A_61 = tpu.memref_slice %arg6[%dma_wait3A] : memref<1024xf32, #tpu.memory_space<vmem>> -> memref<784xf32, #tpu.memory_space<vmem>>
        %dma_wait3A_62 = arith.constant 9216 : i32
        %dma_wait3A_63 = tpu.memref_slice %arg7[%dma_wait3A_62] : memref<10128xf32, #tpu.memory_space<vmem_shared>> -> memref<784xf32, #tpu.memory_space<vmem_shared>>
        %dma_wait3A_64 = arith.constant 9216 : i32
        %dma_wait3A_65 = tpu.memref_slice %arg7[%dma_wait3A_64] : memref<10128xf32, #tpu.memory_space<vmem_shared>> -> memref<784xf32, #tpu.memory_space<vmem_shared>>
        %dma_wait3A_66 = arith.constant 0 : i32
        %dma_wait3A_67 = tpu.memref_slice %arg6[%dma_wait3A_66] : memref<1024xf32, #tpu.memory_space<vmem>> -> memref<784xf32, #tpu.memory_space<vmem>>
        tpu.wait_dma2 semaphore(%run_scoped3A : memref<!tpu.dma_semaphore, #tpu.memory_space<semaphore_mem>>) src(%dma_wait3A_67 : memref<784xf32, #tpu.memory_space<vmem>>) dst(%dma_wait3A_65 : memref<784xf32, #tpu.memory_space<vmem_shared>>)
        tpu.yield
      }) : () -> ()
    } else {
    }
    %barrier3A = arith.constant 0 : index
    tpu.barrier barrier_id(%barrier3A)
    %scan3A_16 = arith.constant 0 : i32
    %scan3A_17 = arith.constant 0 : i32
    %scan3A_18 = arith.constant 79 : i32
    %scan3A_19 = arith.addi %scan3A_17, %scan3A_18 : i32
    %scan3A_20 = arith.constant 1 : i32
    %scan3A_21 = scf.for %scan3A_47 = %scan3A_17 to %scan3A_19 step %scan3A_20 iter_args(%scan3A_48 = %scan3A_16) -> (i32)  : i32 {
      %dma_start3A = arith.constant 0 : i32
      %dma_start3A_49 = tpu.memref_slice %arg4[%scan3A_47, %dma_start3A] : memref<79x128xi32, #tpu.memory_space<vmem>> -> memref<1x128xi32, #tpu.memory_space<vmem>>
      %dma_start3A_50 = tpu.memref_squeeze %dma_start3A_49 : memref<1x128xi32, #tpu.memory_space<vmem>> -> memref<128xi32, #tpu.memory_space<vmem>>
      %dma_start3A_51 = arith.constant 0 : i32
      %dma_start3A_52 = tpu.memref_slice %arg7[%dma_start3A_51] : memref<10128xf32, #tpu.memory_space<vmem_shared>> -> memref<10128xf32, #tpu.memory_space<vmem_shared>>
      tpu.enqueue_indirect_dma source(%arg5 : memref<128xf32, #tpu.memory_space<vmem>>) target(%dma_start3A_52 : memref<10128xf32, #tpu.memory_space<vmem_shared>>) offsets(%dma_start3A_50 : memref<128xi32, #tpu.memory_space<vmem>>) semaphore(%arg8 : memref<!tpu.dma_semaphore, #tpu.memory_space<semaphore_mem>>) {add = true}
      %scan3A_53 = arith.constant 0 : i32
      scf.yield %scan3A_53 : i32
    }
    %scan3A_22 = arith.constant 79 : i32
    %scan3A_23 = arith.constant 0 : i32
    %scan3A_24 = arith.constant 0 : i32
    %scan3A_25 = arith.constant 79 : i32
    %scan3A_26 = arith.addi %scan3A_24, %scan3A_25 : i32
    %scan3A_27 = arith.constant 1 : i32
    %scan3A_28 = scf.for %scan3A_47 = %scan3A_24 to %scan3A_26 step %scan3A_27 iter_args(%scan3A_48 = %scan3A_23) -> (i32)  : i32 {
      %dma_wait3A = arith.constant 0 : i32
      %dma_wait3A_49 = arith.constant 0 : i32
      %dma_wait3A_50 = tpu.memref_slice %arg4[%dma_wait3A, %dma_wait3A_49] : memref<79x128xi32, #tpu.memory_space<vmem>> -> memref<1x128xi32, #tpu.memory_space<vmem>>
      %dma_wait3A_51 = tpu.memref_squeeze %dma_wait3A_50 : memref<1x128xi32, #tpu.memory_space<vmem>> -> memref<128xi32, #tpu.memory_space<vmem>>
      %dma_wait3A_52 = arith.constant 0 : i32
      %dma_wait3A_53 = tpu.memref_slice %arg7[%dma_wait3A_52] : memref<10128xf32, #tpu.memory_space<vmem_shared>> -> memref<10128xf32, #tpu.memory_space<vmem_shared>>
      tpu.wait_indirect_dma semaphore(%arg8 : memref<!tpu.dma_semaphore, #tpu.memory_space<semaphore_mem>>) src(%arg5 : memref<128xf32, #tpu.memory_space<vmem>>) dst(%dma_wait3A_53 : memref<10128xf32, #tpu.memory_space<vmem_shared>>)
      %scan3A_54 = arith.constant 0 : i32
      scf.yield %scan3A_54 : i32
    }
    %scan3A_29 = arith.constant 79 : i32
    %barrier3A_30 = arith.constant 0 : index
    tpu.barrier barrier_id(%barrier3A_30)
    %scan3A_31 = arith.constant 0 : i32
    %scan3A_32 = arith.constant 0 : i32
    %mul3A_33 = arith.constant 16 : i32
    %mul3A_34 = arith.muli %scan3A_32, %mul3A_33 : i32
    %add3A_35 = arith.addi %arg1, %mul3A_34 : i32
    %lt3A = arith.constant 9 : i32
    %lt3A_36 = arith.cmpi slt, %add3A_35, %lt3A : i32
    %convert_element_type3A_37 = arith.extui %lt3A_36 : i1 to i32
    %cond3A_38 = arith.constant 0 : i32
    %cond3A_39 = arith.cmpi ne, %convert_element_type3A_37, %cond3A_38 : i32
    scf.if %cond3A_39 {
      %mul3A_47 = arith.constant 1024 : i32
      %mul3A_48 = arith.muli %add3A_35, %mul3A_47 : i32
      "tpu.region"() ({
        %run_scoped3A = tpu.sem_alloc : memref<!tpu.dma_semaphore, #tpu.memory_space<semaphore_mem>>
        %dma_start3A = tpu.memref_slice %arg7[%mul3A_48] : memref<10128xf32, #tpu.memory_space<vmem_shared>> -> memref<1024xf32, #tpu.memory_space<vmem_shared>>
        %dma_start3A_54 = tpu.memref_slice %arg7[%mul3A_48] : memref<10128xf32, #tpu.memory_space<vmem_shared>> -> memref<1024xf32, #tpu.memory_space<vmem_shared>>
        tpu.enqueue_dma source(%dma_start3A_54 : memref<1024xf32, #tpu.memory_space<vmem_shared>>) target(%arg6 : memref<1024xf32, #tpu.memory_space<vmem>>) target_semaphore(%run_scoped3A : memref<!tpu.dma_semaphore, #tpu.memory_space<semaphore_mem>>)
        %dma_wait3A = tpu.memref_slice %arg7[%mul3A_48] : memref<10128xf32, #tpu.memory_space<vmem_shared>> -> memref<1024xf32, #tpu.memory_space<vmem_shared>>
        %dma_wait3A_55 = tpu.memref_slice %arg7[%mul3A_48] : memref<10128xf32, #tpu.memory_space<vmem_shared>> -> memref<1024xf32, #tpu.memory_space<vmem_shared>>
        tpu.wait_dma2 semaphore(%run_scoped3A : memref<!tpu.dma_semaphore, #tpu.memory_space<semaphore_mem>>) src(%dma_wait3A_55 : memref<1024xf32, #tpu.memory_space<vmem_shared>>) dst(%arg6 : memref<1024xf32, #tpu.memory_space<vmem>>)
        tpu.yield
      }) : () -> ()
      %mul3A_49 = arith.constant 10000 : i32
      %mul3A_50 = arith.muli %arg0, %mul3A_49 : i32
      %mul3A_51 = arith.constant 1024 : i32
      %mul3A_52 = arith.muli %add3A_35, %mul3A_51 : i32
      %add3A_53 = arith.addi %mul3A_50, %mul3A_52 : i32
      "tpu.region"() ({
        %run_scoped3A = tpu.sem_alloc : memref<!tpu.dma_semaphore, #tpu.memory_space<semaphore_mem>>
        %dma_start3A = tpu.memref_slice %arg3[%add3A_53] : memref<20000xf32, #tpu.memory_space<hbm>> -> memref<1024xf32, #tpu.memory_space<hbm>>
        %dma_start3A_54 = tpu.memref_slice %arg3[%add3A_53] : memref<20000xf32, #tpu.memory_space<hbm>> -> memref<1024xf32, #tpu.memory_space<hbm>>
        tpu.enqueue_dma source(%arg6 : memref<1024xf32, #tpu.memory_space<vmem>>) target(%dma_start3A_54 : memref<1024xf32, #tpu.memory_space<hbm>>) target_semaphore(%run_scoped3A : memref<!tpu.dma_semaphore, #tpu.memory_space<semaphore_mem>>)
        %dma_wait3A = tpu.memref_slice %arg3[%add3A_53] : memref<20000xf32, #tpu.memory_space<hbm>> -> memref<1024xf32, #tpu.memory_space<hbm>>
        %dma_wait3A_55 = tpu.memref_slice %arg3[%add3A_53] : memref<20000xf32, #tpu.memory_space<hbm>> -> memref<1024xf32, #tpu.memory_space<hbm>>
        tpu.wait_dma2 semaphore(%run_scoped3A : memref<!tpu.dma_semaphore, #tpu.memory_space<semaphore_mem>>) src(%arg6 : memref<1024xf32, #tpu.memory_space<vmem>>) dst(%dma_wait3A_55 : memref<1024xf32, #tpu.memory_space<hbm>>)
        tpu.yield
      }) : () -> ()
    } else {
    }
    %scan3A_40 = arith.constant 0 : i32
    %scan3A_41 = arith.constant 1 : i32
    %eq3A_42 = arith.constant 15 : i32
    %eq3A_43 = arith.cmpi eq, %arg1, %eq3A_42 : i32
    %convert_element_type3A_44 = arith.extui %eq3A_43 : i1 to i32
    %cond3A_45 = arith.constant 0 : i32
    %cond3A_46 = arith.cmpi ne, %convert_element_type3A_44, %cond3A_45 : i32
    scf.if %cond3A_46 {
      "tpu.region"() ({
        %run_scoped3A = tpu.sem_alloc : memref<!tpu.dma_semaphore, #tpu.memory_space<semaphore_mem>>
        %dma_start3A = arith.constant 0 : i32
        %dma_start3A_51 = tpu.memref_slice %arg6[%dma_start3A] : memref<1024xf32, #tpu.memory_space<vmem>> -> memref<784xf32, #tpu.memory_space<vmem>>
        %dma_start3A_52 = arith.constant 9216 : i32
        %dma_start3A_53 = tpu.memref_slice %arg7[%dma_start3A_52] : memref<10128xf32, #tpu.memory_space<vmem_shared>> -> memref<784xf32, #tpu.memory_space<vmem_shared>>
        %dma_start3A_54 = arith.constant 0 : i32
        %dma_start3A_55 = tpu.memref_slice %arg6[%dma_start3A_54] : memref<1024xf32, #tpu.memory_space<vmem>> -> memref<784xf32, #tpu.memory_space<vmem>>
        %dma_start3A_56 = arith.constant 9216 : i32
        %dma_start3A_57 = tpu.memref_slice %arg7[%dma_start3A_56] : memref<10128xf32, #tpu.memory_space<vmem_shared>> -> memref<784xf32, #tpu.memory_space<vmem_shared>>
        tpu.enqueue_dma source(%dma_start3A_57 : memref<784xf32, #tpu.memory_space<vmem_shared>>) target(%dma_start3A_55 : memref<784xf32, #tpu.memory_space<vmem>>) target_semaphore(%run_scoped3A : memref<!tpu.dma_semaphore, #tpu.memory_space<semaphore_mem>>)
        %dma_wait3A = arith.constant 0 : i32
        %dma_wait3A_58 = tpu.memref_slice %arg6[%dma_wait3A] : memref<1024xf32, #tpu.memory_space<vmem>> -> memref<784xf32, #tpu.memory_space<vmem>>
        %dma_wait3A_59 = arith.constant 9216 : i32
        %dma_wait3A_60 = tpu.memref_slice %arg7[%dma_wait3A_59] : memref<10128xf32, #tpu.memory_space<vmem_shared>> -> memref<784xf32, #tpu.memory_space<vmem_shared>>
        %dma_wait3A_61 = arith.constant 0 : i32
        %dma_wait3A_62 = tpu.memref_slice %arg6[%dma_wait3A_61] : memref<1024xf32, #tpu.memory_space<vmem>> -> memref<784xf32, #tpu.memory_space<vmem>>
        %dma_wait3A_63 = arith.constant 9216 : i32
        %dma_wait3A_64 = tpu.memref_slice %arg7[%dma_wait3A_63] : memref<10128xf32, #tpu.memory_space<vmem_shared>> -> memref<784xf32, #tpu.memory_space<vmem_shared>>
        tpu.wait_dma2 semaphore(%run_scoped3A : memref<!tpu.dma_semaphore, #tpu.memory_space<semaphore_mem>>) src(%dma_wait3A_64 : memref<784xf32, #tpu.memory_space<vmem_shared>>) dst(%dma_wait3A_62 : memref<784xf32, #tpu.memory_space<vmem>>)
        tpu.yield
      }) : () -> ()
      %mul3A_47 = arith.constant 10000 : i32
      %mul3A_48 = arith.muli %arg0, %mul3A_47 : i32
      %add3A_49 = arith.constant 9216 : i32
      %add3A_50 = arith.addi %mul3A_48, %add3A_49 : i32
      "tpu.region"() ({
        %run_scoped3A = tpu.sem_alloc : memref<!tpu.dma_semaphore, #tpu.memory_space<semaphore_mem>>
        %dma_start3A = arith.constant 0 : i32
        %dma_start3A_51 = tpu.memref_slice %arg6[%dma_start3A] : memref<1024xf32, #tpu.memory_space<vmem>> -> memref<784xf32, #tpu.memory_space<vmem>>
        %dma_start3A_52 = tpu.memref_slice %arg3[%add3A_50] : memref<20000xf32, #tpu.memory_space<hbm>> -> memref<784xf32, #tpu.memory_space<hbm>>
        %dma_start3A_53 = tpu.memref_slice %arg3[%add3A_50] : memref<20000xf32, #tpu.memory_space<hbm>> -> memref<784xf32, #tpu.memory_space<hbm>>
        %dma_start3A_54 = arith.constant 0 : i32
        %dma_start3A_55 = tpu.memref_slice %arg6[%dma_start3A_54] : memref<1024xf32, #tpu.memory_space<vmem>> -> memref<784xf32, #tpu.memory_space<vmem>>
        tpu.enqueue_dma source(%dma_start3A_55 : memref<784xf32, #tpu.memory_space<vmem>>) target(%dma_start3A_53 : memref<784xf32, #tpu.memory_space<hbm>>) target_semaphore(%run_scoped3A : memref<!tpu.dma_semaphore, #tpu.memory_space<semaphore_mem>>)
        %dma_wait3A = arith.constant 0 : i32
        %dma_wait3A_56 = tpu.memref_slice %arg6[%dma_wait3A] : memref<1024xf32, #tpu.memory_space<vmem>> -> memref<784xf32, #tpu.memory_space<vmem>>
        %dma_wait3A_57 = tpu.memref_slice %arg3[%add3A_50] : memref<20000xf32, #tpu.memory_space<hbm>> -> memref<784xf32, #tpu.memory_space<hbm>>
        %dma_wait3A_58 = tpu.memref_slice %arg3[%add3A_50] : memref<20000xf32, #tpu.memory_space<hbm>> -> memref<784xf32, #tpu.memory_space<hbm>>
        %dma_wait3A_59 = arith.constant 0 : i32
        %dma_wait3A_60 = tpu.memref_slice %arg6[%dma_wait3A_59] : memref<1024xf32, #tpu.memory_space<vmem>> -> memref<784xf32, #tpu.memory_space<vmem>>
        tpu.wait_dma2 semaphore(%run_scoped3A : memref<!tpu.dma_semaphore, #tpu.memory_space<semaphore_mem>>) src(%dma_wait3A_60 : memref<784xf32, #tpu.memory_space<vmem>>) dst(%dma_wait3A_58 : memref<784xf32, #tpu.memory_space<hbm>>)
        tpu.yield
      }) : () -> ()
    } else {
    }
    return
  }
}

#map = affine_map<(d0, d1) -> (0)>
#map1 = affine_map<(d0, d1) -> (0, 0)>
module attributes {stable_mosaic.version = 14 : i64} {
  func.func @scat_kernel(%arg0: i32, %arg1: i32, %arg2: memref<320000xi32, #tpu.memory_space<hbm>>, %arg3: memref<320000xi32, #tpu.memory_space<hbm>>, %arg4: memref<10000x128xf32, #tpu.memory_space<hbm>>, %arg5: memref<20000x128xf32, #tpu.memory_space<hbm>>, %arg6: memref<128xi32, #tpu.memory_space<vmem>>, %arg7: memref<128xi32, #tpu.memory_space<vmem>>, %arg8: memref<128xi32, #tpu.memory_space<vmem>>, %arg9: memref<128xi32, #tpu.memory_space<vmem>>, %arg10: memref<128xi32, #tpu.memory_space<vmem>>, %arg11: memref<128xi32, #tpu.memory_space<vmem>>, %arg12: memref<128x128xf32, #tpu.memory_space<vmem>>, %arg13: memref<128x128xf32, #tpu.memory_space<vmem>>, %arg14: memref<128x128xf32, #tpu.memory_space<vmem>>, %arg15: memref<16xi32, #tpu.memory_space<vmem>>, %arg16: memref<16xi32, #tpu.memory_space<vmem>>, %arg17: memref<10000x128xf32, #tpu.memory_space<vmem_shared>>, %arg18: memref<!tpu.dma_semaphore, #tpu.memory_space<semaphore_mem>>, %arg19: memref<!tpu.dma_semaphore, #tpu.memory_space<semaphore_mem>>) attributes {dimension_semantics = [#tpu.dimension_semantics<core_parallel>, #tpu.dimension_semantics<subcore_parallel>], iteration_bounds = array<i64: 2, 16>, scalar_prefetch = 0 : i64, scratch_operands = 14 : i64, tpu.core_type = #tpu.core_type<sc_vector_subcore>, window_params = [{transform_indices = #map}, {transform_indices = #map}, {transform_indices = #map1}, {transform_indices = #map1}]} {
    %mul3A = arith.constant 16 : i32
    %mul3A_0 = arith.muli %arg0, %mul3A : i32
    %add3A = arith.addi %mul3A_0, %arg1 : i32
    %mul3A_1 = arith.constant 10000 : i32
    %mul3A_2 = arith.muli %add3A, %mul3A_1 : i32
    %scan3A = arith.constant 0 : i32
    %scan3A_3 = arith.constant 0 : i32
    %scan3A_4 = arith.constant 128 : i32
    %scan3A_5 = arith.addi %scan3A_3, %scan3A_4 : i32
    %scan3A_6 = arith.constant 1 : i32
    %scan3A_7 = scf.for %scan3A_63 = %scan3A_3 to %scan3A_5 step %scan3A_6 iter_args(%scan3A_64 = %scan3A) -> (i32)  : i32 {
      %scan3A_65 = arith.constant 0 : i32
      %scan3A_66 = arith.constant 0 : i32
      %scan3A_67 = arith.constant 8 : i32
      %scan3A_68 = arith.addi %scan3A_66, %scan3A_67 : i32
      %scan3A_69 = arith.constant 1 : i32
      %scan3A_70 = scf.for %scan3A_73 = %scan3A_66 to %scan3A_68 step %scan3A_69 iter_args(%scan3A_74 = %scan3A_65) -> (i32)  : i32 {
        %broadcast_in_dim3A = arith.constant 0.000000e+00 : f32
        %broadcast_in_dim3A_75 = vector.broadcast %broadcast_in_dim3A : f32 to vector<16xf32>
        %mul3A_76 = arith.constant 16 : i32
        %mul3A_77 = arith.muli %scan3A_73, %mul3A_76 : i32
        %swap3A = arith.index_cast %scan3A_63 : i32 to index
        %swap3A_78 = arith.index_cast %mul3A_77 : i32 to index
        %swap3A_79 = tpu.vector_load %arg12[%swap3A, %swap3A_78] {strides = array<i32>} : memref<128x128xf32, #tpu.memory_space<vmem>>, vector<1x16xf32>,
        %swap3A_80 = vector.shape_cast %swap3A_79 : vector<1x16xf32> to vector<16xf32>
        %swap3A_81 = vector.shape_cast %broadcast_in_dim3A_75 : vector<16xf32> to vector<1x16xf32>
        tpu.vector_store %arg12[%swap3A, %swap3A_78], %swap3A_81 {strides = array<i32>} : memref<128x128xf32, #tpu.memory_space<vmem>>, vector<1x16xf32>,
        %scan3A_82 = arith.constant 0 : i32
        scf.yield %scan3A_82 : i32
      }
      %scan3A_71 = arith.constant 8 : i32
      %scan3A_72 = arith.constant 0 : i32
      scf.yield %scan3A_72 : i32
    }
    %scan3A_8 = arith.constant 128 : i32
    %scan3A_9 = arith.constant 0 : i32
    %scan3A_10 = arith.constant 0 : i32
    %scan3A_11 = arith.constant 5 : i32
    %scan3A_12 = arith.addi %scan3A_10, %scan3A_11 : i32
    %scan3A_13 = arith.constant 1 : i32
    %scan3A_14 = scf.for %scan3A_63 = %scan3A_10 to %scan3A_12 step %scan3A_13 iter_args(%scan3A_64 = %scan3A_9) -> (i32)  : i32 {
      %mul3A_65 = arith.constant 16 : i32
      %mul3A_66 = arith.muli %scan3A_63, %mul3A_65 : i32
      %add3A_67 = arith.addi %arg1, %mul3A_66 : i32
      %lt3A = arith.constant 78 : i32
      %lt3A_68 = arith.cmpi slt, %add3A_67, %lt3A : i32
      %convert_element_type3A_69 = arith.extui %lt3A_68 : i1 to i32
      %cond3A_70 = arith.constant 0 : i32
      %cond3A_71 = arith.cmpi ne, %convert_element_type3A_69, %cond3A_70 : i32
      scf.if %cond3A_71 {
        %mul3A_73 = arith.constant 128 : i32
        %mul3A_74 = arith.muli %add3A_67, %mul3A_73 : i32
        "tpu.region"() ({
          %run_scoped3A = tpu.sem_alloc : memref<!tpu.dma_semaphore, #tpu.memory_space<semaphore_mem>>
          %dma_start3A_75 = arith.constant 0 : i32
          %dma_start3A_76 = tpu.memref_slice %arg17[%mul3A_74, %dma_start3A_75] : memref<10000x128xf32, #tpu.memory_space<vmem_shared>> -> memref<128x128xf32, #tpu.memory_space<vmem_shared>>
          %dma_start3A_77 = arith.constant 0 : i32
          %dma_start3A_78 = tpu.memref_slice %arg17[%mul3A_74, %dma_start3A_77] : memref<10000x128xf32, #tpu.memory_space<vmem_shared>> -> memref<128x128xf32, #tpu.memory_space<vmem_shared>>
          tpu.enqueue_dma source(%arg12 : memref<128x128xf32, #tpu.memory_space<vmem>>) target(%dma_start3A_78 : memref<128x128xf32, #tpu.memory_space<vmem_shared>>) target_semaphore(%run_scoped3A : memref<!tpu.dma_semaphore, #tpu.memory_space<semaphore_mem>>)
          %dma_wait3A_79 = arith.constant 0 : i32
          %dma_wait3A_80 = tpu.memref_slice %arg17[%mul3A_74, %dma_wait3A_79] : memref<10000x128xf32, #tpu.memory_space<vmem_shared>> -> memref<128x128xf32, #tpu.memory_space<vmem_shared>>
          %dma_wait3A_81 = arith.constant 0 : i32
          %dma_wait3A_82 = tpu.memref_slice %arg17[%mul3A_74, %dma_wait3A_81] : memref<10000x128xf32, #tpu.memory_space<vmem_shared>> -> memref<128x128xf32, #tpu.memory_space<vmem_shared>>
          tpu.wait_dma2 semaphore(%run_scoped3A : memref<!tpu.dma_semaphore, #tpu.memory_space<semaphore_mem>>) src(%arg12 : memref<128x128xf32, #tpu.memory_space<vmem>>) dst(%dma_wait3A_82 : memref<128x128xf32, #tpu.memory_space<vmem_shared>>)
          tpu.yield
        }) : () -> ()
      } else {
      }
      %scan3A_72 = arith.constant 0 : i32
      scf.yield %scan3A_72 : i32
    }
    %scan3A_15 = arith.constant 5 : i32
    %eq3A = arith.constant 0 : i32
    %eq3A_16 = arith.cmpi eq, %arg1, %eq3A : i32
    %convert_element_type3A = arith.extui %eq3A_16 : i1 to i32
    %cond3A = arith.constant 0 : i32
    %cond3A_17 = arith.cmpi ne, %convert_element_type3A, %cond3A : i32
    scf.if %cond3A_17 {
      "tpu.region"() ({
        %run_scoped3A = tpu.sem_alloc : memref<!tpu.dma_semaphore, #tpu.memory_space<semaphore_mem>>
        %dma_start3A_63 = arith.constant 0 : i32
        %dma_start3A_64 = arith.constant 0 : i32
        %dma_start3A_65 = tpu.memref_slice %arg12[%dma_start3A_63, %dma_start3A_64] : memref<128x128xf32, #tpu.memory_space<vmem>> -> memref<16x128xf32, #tpu.memory_space<vmem>>
        %dma_start3A_66 = arith.constant 9984 : i32
        %dma_start3A_67 = arith.constant 0 : i32
        %dma_start3A_68 = tpu.memref_slice %arg17[%dma_start3A_66, %dma_start3A_67] : memref<10000x128xf32, #tpu.memory_space<vmem_shared>> -> memref<16x128xf32, #tpu.memory_space<vmem_shared>>
        %dma_start3A_69 = arith.constant 9984 : i32
        %dma_start3A_70 = arith.constant 0 : i32
        %dma_start3A_71 = tpu.memref_slice %arg17[%dma_start3A_69, %dma_start3A_70] : memref<10000x128xf32, #tpu.memory_space<vmem_shared>> -> memref<16x128xf32, #tpu.memory_space<vmem_shared>>
        %dma_start3A_72 = arith.constant 0 : i32
        %dma_start3A_73 = arith.constant 0 : i32
        %dma_start3A_74 = tpu.memref_slice %arg12[%dma_start3A_72, %dma_start3A_73] : memref<128x128xf32, #tpu.memory_space<vmem>> -> memref<16x128xf32, #tpu.memory_space<vmem>>
        tpu.enqueue_dma source(%dma_start3A_74 : memref<16x128xf32, #tpu.memory_space<vmem>>) target(%dma_start3A_71 : memref<16x128xf32, #tpu.memory_space<vmem_shared>>) target_semaphore(%run_scoped3A : memref<!tpu.dma_semaphore, #tpu.memory_space<semaphore_mem>>)
        %dma_wait3A_75 = arith.constant 0 : i32
        %dma_wait3A_76 = arith.constant 0 : i32
        %dma_wait3A_77 = tpu.memref_slice %arg12[%dma_wait3A_75, %dma_wait3A_76] : memref<128x128xf32, #tpu.memory_space<vmem>> -> memref<16x128xf32, #tpu.memory_space<vmem>>
        %dma_wait3A_78 = arith.constant 9984 : i32
        %dma_wait3A_79 = arith.constant 0 : i32
        %dma_wait3A_80 = tpu.memref_slice %arg17[%dma_wait3A_78, %dma_wait3A_79] : memref<10000x128xf32, #tpu.memory_space<vmem_shared>> -> memref<16x128xf32, #tpu.memory_space<vmem_shared>>
        %dma_wait3A_81 = arith.constant 9984 : i32
        %dma_wait3A_82 = arith.constant 0 : i32
        %dma_wait3A_83 = tpu.memref_slice %arg17[%dma_wait3A_81, %dma_wait3A_82] : memref<10000x128xf32, #tpu.memory_space<vmem_shared>> -> memref<16x128xf32, #tpu.memory_space<vmem_shared>>
        %dma_wait3A_84 = arith.constant 0 : i32
        %dma_wait3A_85 = arith.constant 0 : i32
        %dma_wait3A_86 = tpu.memref_slice %arg12[%dma_wait3A_84, %dma_wait3A_85] : memref<128x128xf32, #tpu.memory_space<vmem>> -> memref<16x128xf32, #tpu.memory_space<vmem>>
        tpu.wait_dma2 semaphore(%run_scoped3A : memref<!tpu.dma_semaphore, #tpu.memory_space<semaphore_mem>>) src(%dma_wait3A_86 : memref<16x128xf32, #tpu.memory_space<vmem>>) dst(%dma_wait3A_83 : memref<16x128xf32, #tpu.memory_space<vmem_shared>>)
        tpu.yield
      }) : () -> ()
    } else {
    }
    %barrier3A = arith.constant 0 : index
    tpu.barrier barrier_id(%barrier3A)
    "tpu.region"() ({
      %run_scoped3A = tpu.sem_alloc : memref<!tpu.dma_semaphore, #tpu.memory_space<semaphore_mem>>
      %dma_start3A_63 = tpu.memref_slice %arg2[%mul3A_2] : memref<320000xi32, #tpu.memory_space<hbm>> -> memref<128xi32, #tpu.memory_space<hbm>>
      %dma_start3A_64 = tpu.memref_slice %arg2[%mul3A_2] : memref<320000xi32, #tpu.memory_space<hbm>> -> memref<128xi32, #tpu.memory_space<hbm>>
      tpu.enqueue_dma source(%dma_start3A_64 : memref<128xi32, #tpu.memory_space<hbm>>) target(%arg6 : memref<128xi32, #tpu.memory_space<vmem>>) target_semaphore(%run_scoped3A : memref<!tpu.dma_semaphore, #tpu.memory_space<semaphore_mem>>)
      %dma_wait3A_65 = tpu.memref_slice %arg2[%mul3A_2] : memref<320000xi32, #tpu.memory_space<hbm>> -> memref<128xi32, #tpu.memory_space<hbm>>
      %dma_wait3A_66 = tpu.memref_slice %arg2[%mul3A_2] : memref<320000xi32, #tpu.memory_space<hbm>> -> memref<128xi32, #tpu.memory_space<hbm>>
      tpu.wait_dma2 semaphore(%run_scoped3A : memref<!tpu.dma_semaphore, #tpu.memory_space<semaphore_mem>>) src(%dma_wait3A_66 : memref<128xi32, #tpu.memory_space<hbm>>) dst(%arg6 : memref<128xi32, #tpu.memory_space<vmem>>)
      tpu.yield
    }) : () -> ()
    %dma_start3A = arith.constant 0 : i32
    %dma_start3A_18 = arith.constant 0 : i32
    %dma_start3A_19 = tpu.memref_slice %arg4[%dma_start3A, %dma_start3A_18] : memref<10000x128xf32, #tpu.memory_space<hbm>> -> memref<10000x128xf32, #tpu.memory_space<hbm>>
    tpu.enqueue_indirect_dma source(%dma_start3A_19 : memref<10000x128xf32, #tpu.memory_space<hbm>>) target(%arg12 : memref<128x128xf32, #tpu.memory_space<vmem>>) offsets(%arg6 : memref<128xi32, #tpu.memory_space<vmem>>) semaphore(%arg18 : memref<!tpu.dma_semaphore, #tpu.memory_space<semaphore_mem>>)
    %add3A_20 = arith.constant 128 : i32
    %add3A_21 = arith.addi %mul3A_2, %add3A_20 : i32
    "tpu.region"() ({
      %run_scoped3A = tpu.sem_alloc : memref<!tpu.dma_semaphore, #tpu.memory_space<semaphore_mem>>
      %dma_start3A_63 = tpu.memref_slice %arg2[%add3A_21] : memref<320000xi32, #tpu.memory_space<hbm>> -> memref<128xi32, #tpu.memory_space<hbm>>
      %dma_start3A_64 = tpu.memref_slice %arg2[%add3A_21] : memref<320000xi32, #tpu.memory_space<hbm>> -> memref<128xi32, #tpu.memory_space<hbm>>
      tpu.enqueue_dma source(%dma_start3A_64 : memref<128xi32, #tpu.memory_space<hbm>>) target(%arg8 : memref<128xi32, #tpu.memory_space<vmem>>) target_semaphore(%run_scoped3A : memref<!tpu.dma_semaphore, #tpu.memory_space<semaphore_mem>>)
      %dma_wait3A_65 = tpu.memref_slice %arg2[%add3A_21] : memref<320000xi32, #tpu.memory_space<hbm>> -> memref<128xi32, #tpu.memory_space<hbm>>
      %dma_wait3A_66 = tpu.memref_slice %arg2[%add3A_21] : memref<320000xi32, #tpu.memory_space<hbm>> -> memref<128xi32, #tpu.memory_space<hbm>>
      tpu.wait_dma2 semaphore(%run_scoped3A : memref<!tpu.dma_semaphore, #tpu.memory_space<semaphore_mem>>) src(%dma_wait3A_66 : memref<128xi32, #tpu.memory_space<hbm>>) dst(%arg8 : memref<128xi32, #tpu.memory_space<vmem>>)
      tpu.yield
    }) : () -> ()
    %dma_start3A_22 = arith.constant 0 : i32
    %dma_start3A_23 = arith.constant 0 : i32
    %dma_start3A_24 = tpu.memref_slice %arg4[%dma_start3A_22, %dma_start3A_23] : memref<10000x128xf32, #tpu.memory_space<hbm>> -> memref<10000x128xf32, #tpu.memory_space<hbm>>
    tpu.enqueue_indirect_dma source(%dma_start3A_24 : memref<10000x128xf32, #tpu.memory_space<hbm>>) target(%arg13 : memref<128x128xf32, #tpu.memory_space<vmem>>) offsets(%arg8 : memref<128xi32, #tpu.memory_space<vmem>>) semaphore(%arg18 : memref<!tpu.dma_semaphore, #tpu.memory_space<semaphore_mem>>)
    %scan3A_25 = arith.constant 0 : i32
    %scan3A_26 = arith.constant 0 : i32
    %scan3A_27 = arith.constant 26 : i32
    %scan3A_28 = arith.addi %scan3A_26, %scan3A_27 : i32
    %scan3A_29 = arith.constant 1 : i32
    %scan3A_30 = scf.for %scan3A_63 = %scan3A_26 to %scan3A_28 step %scan3A_29 iter_args(%scan3A_64 = %scan3A_25) -> (i32)  : i32 {
      %mul3A_65 = arith.constant 3 : i32
      %mul3A_66 = arith.muli %mul3A_65, %scan3A_63 : i32
      %mul3A_67 = arith.constant 128 : i32
      %mul3A_68 = arith.muli %mul3A_66, %mul3A_67 : i32
      %add3A_69 = arith.addi %mul3A_2, %mul3A_68 : i32
      %mul3A_70 = arith.constant 3 : i32
      %mul3A_71 = arith.muli %mul3A_70, %scan3A_63 : i32
      %add3A_72 = arith.constant 1 : i32
      %add3A_73 = arith.addi %mul3A_71, %add3A_72 : i32
      %mul3A_74 = arith.constant 128 : i32
      %mul3A_75 = arith.muli %add3A_73, %mul3A_74 : i32
      %add3A_76 = arith.addi %mul3A_2, %mul3A_75 : i32
      %mul3A_77 = arith.constant 3 : i32
      %mul3A_78 = arith.muli %mul3A_77, %scan3A_63 : i32
      %add3A_79 = arith.constant 2 : i32
      %add3A_80 = arith.addi %mul3A_78, %add3A_79 : i32
      %mul3A_81 = arith.constant 128 : i32
      %mul3A_82 = arith.muli %add3A_80, %mul3A_81 : i32
      %add3A_83 = arith.addi %mul3A_2, %mul3A_82 : i32
      "tpu.region"() ({
        %run_scoped3A = tpu.sem_alloc : memref<!tpu.dma_semaphore, #tpu.memory_space<semaphore_mem>>
        %dma_start3A_142 = tpu.memref_slice %arg3[%add3A_69] : memref<320000xi32, #tpu.memory_space<hbm>> -> memref<128xi32, #tpu.memory_space<hbm>>
        %dma_start3A_143 = tpu.memref_slice %arg3[%add3A_69] : memref<320000xi32, #tpu.memory_space<hbm>> -> memref<128xi32, #tpu.memory_space<hbm>>
        tpu.enqueue_dma source(%dma_start3A_143 : memref<128xi32, #tpu.memory_space<hbm>>) target(%arg7 : memref<128xi32, #tpu.memory_space<vmem>>) target_semaphore(%run_scoped3A : memref<!tpu.dma_semaphore, #tpu.memory_space<semaphore_mem>>)
        %dma_wait3A_144 = tpu.memref_slice %arg3[%add3A_69] : memref<320000xi32, #tpu.memory_space<hbm>> -> memref<128xi32, #tpu.memory_space<hbm>>
        %dma_wait3A_145 = tpu.memref_slice %arg3[%add3A_69] : memref<320000xi32, #tpu.memory_space<hbm>> -> memref<128xi32, #tpu.memory_space<hbm>>
        tpu.wait_dma2 semaphore(%run_scoped3A : memref<!tpu.dma_semaphore, #tpu.memory_space<semaphore_mem>>) src(%dma_wait3A_145 : memref<128xi32, #tpu.memory_space<hbm>>) dst(%arg7 : memref<128xi32, #tpu.memory_space<vmem>>)
        tpu.yield
      }) : () -> ()
      %dma_wait3A_84 = arith.constant 0 : i32
      %dma_wait3A_85 = arith.constant 0 : i32
      %dma_wait3A_86 = tpu.memref_slice %arg4[%dma_wait3A_84, %dma_wait3A_85] : memref<10000x128xf32, #tpu.memory_space<hbm>> -> memref<128x128xf32, #tpu.memory_space<hbm>>
      %dma_wait3A_87 = arith.constant 0 : i32
      %dma_wait3A_88 = arith.constant 0 : i32
      %dma_wait3A_89 = tpu.memref_slice %arg4[%dma_wait3A_87, %dma_wait3A_88] : memref<10000x128xf32, #tpu.memory_space<hbm>> -> memref<128x128xf32, #tpu.memory_space<hbm>>
      tpu.wait_dma2 semaphore(%arg18 : memref<!tpu.dma_semaphore, #tpu.memory_space<semaphore_mem>>) src(%dma_wait3A_89 : memref<128x128xf32, #tpu.memory_space<hbm>>) dst(%arg12 : memref<128x128xf32, #tpu.memory_space<vmem>>)
      %dma_start3A_90 = arith.constant 0 : i32
      %dma_start3A_91 = arith.constant 0 : i32
      %dma_start3A_92 = tpu.memref_slice %arg17[%dma_start3A_90, %dma_start3A_91] : memref<10000x128xf32, #tpu.memory_space<vmem_shared>> -> memref<10000x128xf32, #tpu.memory_space<vmem_shared>>
      tpu.enqueue_indirect_dma source(%arg12 : memref<128x128xf32, #tpu.memory_space<vmem>>) target(%dma_start3A_92 : memref<10000x128xf32, #tpu.memory_space<vmem_shared>>) offsets(%arg7 : memref<128xi32, #tpu.memory_space<vmem>>) semaphore(%arg19 : memref<!tpu.dma_semaphore, #tpu.memory_space<semaphore_mem>>) {add = true}
      "tpu.region"() ({
        %run_scoped3A = tpu.sem_alloc : memref<!tpu.dma_semaphore, #tpu.memory_space<semaphore_mem>>
        %dma_start3A_142 = tpu.memref_slice %arg3[%add3A_76] : memref<320000xi32, #tpu.memory_space<hbm>> -> memref<128xi32, #tpu.memory_space<hbm>>
        %dma_start3A_143 = tpu.memref_slice %arg3[%add3A_76] : memref<320000xi32, #tpu.memory_space<hbm>> -> memref<128xi32, #tpu.memory_space<hbm>>
        tpu.enqueue_dma source(%dma_start3A_143 : memref<128xi32, #tpu.memory_space<hbm>>) target(%arg9 : memref<128xi32, #tpu.memory_space<vmem>>) target_semaphore(%run_scoped3A : memref<!tpu.dma_semaphore, #tpu.memory_space<semaphore_mem>>)
        %dma_wait3A_144 = tpu.memref_slice %arg3[%add3A_76] : memref<320000xi32, #tpu.memory_space<hbm>> -> memref<128xi32, #tpu.memory_space<hbm>>
        %dma_wait3A_145 = tpu.memref_slice %arg3[%add3A_76] : memref<320000xi32, #tpu.memory_space<hbm>> -> memref<128xi32, #tpu.memory_space<hbm>>
        tpu.wait_dma2 semaphore(%run_scoped3A : memref<!tpu.dma_semaphore, #tpu.memory_space<semaphore_mem>>) src(%dma_wait3A_145 : memref<128xi32, #tpu.memory_space<hbm>>) dst(%arg9 : memref<128xi32, #tpu.memory_space<vmem>>)
        tpu.yield
      }) : () -> ()
      %dma_wait3A_93 = arith.constant 0 : i32
      %dma_wait3A_94 = arith.constant 0 : i32
      %dma_wait3A_95 = tpu.memref_slice %arg4[%dma_wait3A_93, %dma_wait3A_94] : memref<10000x128xf32, #tpu.memory_space<hbm>> -> memref<128x128xf32, #tpu.memory_space<hbm>>
      %dma_wait3A_96 = arith.constant 0 : i32
      %dma_wait3A_97 = arith.constant 0 : i32
      %dma_wait3A_98 = tpu.memref_slice %arg4[%dma_wait3A_96, %dma_wait3A_97] : memref<10000x128xf32, #tpu.memory_space<hbm>> -> memref<128x128xf32, #tpu.memory_space<hbm>>
      tpu.wait_dma2 semaphore(%arg18 : memref<!tpu.dma_semaphore, #tpu.memory_space<semaphore_mem>>) src(%dma_wait3A_98 : memref<128x128xf32, #tpu.memory_space<hbm>>) dst(%arg13 : memref<128x128xf32, #tpu.memory_space<vmem>>)
      %dma_start3A_99 = arith.constant 0 : i32
      %dma_start3A_100 = arith.constant 0 : i32
      %dma_start3A_101 = tpu.memref_slice %arg17[%dma_start3A_99, %dma_start3A_100] : memref<10000x128xf32, #tpu.memory_space<vmem_shared>> -> memref<10000x128xf32, #tpu.memory_space<vmem_shared>>
      tpu.enqueue_indirect_dma source(%arg13 : memref<128x128xf32, #tpu.memory_space<vmem>>) target(%dma_start3A_101 : memref<10000x128xf32, #tpu.memory_space<vmem_shared>>) offsets(%arg9 : memref<128xi32, #tpu.memory_space<vmem>>) semaphore(%arg19 : memref<!tpu.dma_semaphore, #tpu.memory_space<semaphore_mem>>) {add = true}
      %gt3A = arith.constant 0 : i32
      %gt3A_102 = arith.cmpi sgt, %scan3A_63, %gt3A : i32
      %convert_element_type3A_103 = arith.extui %gt3A_102 : i1 to i32
      %cond3A_104 = arith.constant 0 : i32
      %cond3A_105 = arith.cmpi ne, %convert_element_type3A_103, %cond3A_104 : i32
      scf.if %cond3A_105 {
        %dma_wait3A_142 = arith.constant 0 : i32
        %dma_wait3A_143 = arith.constant 0 : i32
        %dma_wait3A_144 = tpu.memref_slice %arg17[%dma_wait3A_142, %dma_wait3A_143] : memref<10000x128xf32, #tpu.memory_space<vmem_shared>> -> memref<10000x128xf32, #tpu.memory_space<vmem_shared>>
        tpu.wait_indirect_dma semaphore(%arg19 : memref<!tpu.dma_semaphore, #tpu.memory_space<semaphore_mem>>) src(%arg14 : memref<128x128xf32, #tpu.memory_space<vmem>>) dst(%dma_wait3A_144 : memref<10000x128xf32, #tpu.memory_space<vmem_shared>>)
      } else {
      }
      "tpu.region"() ({
        %run_scoped3A = tpu.sem_alloc : memref<!tpu.dma_semaphore, #tpu.memory_space<semaphore_mem>>
        %dma_start3A_142 = tpu.memref_slice %arg2[%add3A_83] : memref<320000xi32, #tpu.memory_space<hbm>> -> memref<128xi32, #tpu.memory_space<hbm>>
        %dma_start3A_143 = tpu.memref_slice %arg2[%add3A_83] : memref<320000xi32, #tpu.memory_space<hbm>> -> memref<128xi32, #tpu.memory_space<hbm>>
        tpu.enqueue_dma source(%dma_start3A_143 : memref<128xi32, #tpu.memory_space<hbm>>) target(%arg10 : memref<128xi32, #tpu.memory_space<vmem>>) target_semaphore(%run_scoped3A : memref<!tpu.dma_semaphore, #tpu.memory_space<semaphore_mem>>)
        %dma_wait3A_144 = tpu.memref_slice %arg2[%add3A_83] : memref<320000xi32, #tpu.memory_space<hbm>> -> memref<128xi32, #tpu.memory_space<hbm>>
        %dma_wait3A_145 = tpu.memref_slice %arg2[%add3A_83] : memref<320000xi32, #tpu.memory_space<hbm>> -> memref<128xi32, #tpu.memory_space<hbm>>
        tpu.wait_dma2 semaphore(%run_scoped3A : memref<!tpu.dma_semaphore, #tpu.memory_space<semaphore_mem>>) src(%dma_wait3A_145 : memref<128xi32, #tpu.memory_space<hbm>>) dst(%arg10 : memref<128xi32, #tpu.memory_space<vmem>>)
        tpu.yield
      }) : () -> ()
      %dma_start3A_106 = arith.constant 0 : i32
      %dma_start3A_107 = arith.constant 0 : i32
      %dma_start3A_108 = tpu.memref_slice %arg4[%dma_start3A_106, %dma_start3A_107] : memref<10000x128xf32, #tpu.memory_space<hbm>> -> memref<10000x128xf32, #tpu.memory_space<hbm>>
      tpu.enqueue_indirect_dma source(%dma_start3A_108 : memref<10000x128xf32, #tpu.memory_space<hbm>>) target(%arg14 : memref<128x128xf32, #tpu.memory_space<vmem>>) offsets(%arg10 : memref<128xi32, #tpu.memory_space<vmem>>) semaphore(%arg18 : memref<!tpu.dma_semaphore, #tpu.memory_space<semaphore_mem>>)
      %dma_wait3A_109 = arith.constant 0 : i32
      %dma_wait3A_110 = arith.constant 0 : i32
      %dma_wait3A_111 = tpu.memref_slice %arg17[%dma_wait3A_109, %dma_wait3A_110] : memref<10000x128xf32, #tpu.memory_space<vmem_shared>> -> memref<10000x128xf32, #tpu.memory_space<vmem_shared>>
      tpu.wait_indirect_dma semaphore(%arg19 : memref<!tpu.dma_semaphore, #tpu.memory_space<semaphore_mem>>) src(%arg12 : memref<128x128xf32, #tpu.memory_space<vmem>>) dst(%dma_wait3A_111 : memref<10000x128xf32, #tpu.memory_space<vmem_shared>>)
      %mul3A_112 = arith.constant 3 : i32
      %mul3A_113 = arith.muli %mul3A_112, %scan3A_63 : i32
      %add3A_114 = arith.constant 3 : i32
      %add3A_115 = arith.addi %mul3A_113, %add3A_114 : i32
      %lt3A = arith.constant 78 : i32
      %lt3A_116 = arith.cmpi slt, %add3A_115, %lt3A : i32
      %convert_element_type3A_117 = arith.extui %lt3A_116 : i1 to i32
      %cond3A_118 = arith.constant 0 : i32
      %cond3A_119 = arith.cmpi ne, %convert_element_type3A_117, %cond3A_118 : i32
      scf.if %cond3A_119 {
        %add3A_142 = arith.constant 128 : i32
        %add3A_143 = arith.addi %add3A_83, %add3A_142 : i32
        "tpu.region"() ({
          %run_scoped3A = tpu.sem_alloc : memref<!tpu.dma_semaphore, #tpu.memory_space<semaphore_mem>>
          %dma_start3A_147 = tpu.memref_slice %arg2[%add3A_143] : memref<320000xi32, #tpu.memory_space<hbm>> -> memref<128xi32, #tpu.memory_space<hbm>>
          %dma_start3A_148 = tpu.memref_slice %arg2[%add3A_143] : memref<320000xi32, #tpu.memory_space<hbm>> -> memref<128xi32, #tpu.memory_space<hbm>>
          tpu.enqueue_dma source(%dma_start3A_148 : memref<128xi32, #tpu.memory_space<hbm>>) target(%arg6 : memref<128xi32, #tpu.memory_space<vmem>>) target_semaphore(%run_scoped3A : memref<!tpu.dma_semaphore, #tpu.memory_space<semaphore_mem>>)
          %dma_wait3A_149 = tpu.memref_slice %arg2[%add3A_143] : memref<320000xi32, #tpu.memory_space<hbm>> -> memref<128xi32, #tpu.memory_space<hbm>>
          %dma_wait3A_150 = tpu.memref_slice %arg2[%add3A_143] : memref<320000xi32, #tpu.memory_space<hbm>> -> memref<128xi32, #tpu.memory_space<hbm>>
          tpu.wait_dma2 semaphore(%run_scoped3A : memref<!tpu.dma_semaphore, #tpu.memory_space<semaphore_mem>>) src(%dma_wait3A_150 : memref<128xi32, #tpu.memory_space<hbm>>) dst(%arg6 : memref<128xi32, #tpu.memory_space<vmem>>)
          tpu.yield
        }) : () -> ()
        %dma_start3A_144 = arith.constant 0 : i32
        %dma_start3A_145 = arith.constant 0 : i32
        %dma_start3A_146 = tpu.memref_slice %arg4[%dma_start3A_144, %dma_start3A_145] : memref<10000x128xf32, #tpu.memory_space<hbm>> -> memref<10000x128xf32, #tpu.memory_space<hbm>>
        tpu.enqueue_indirect_dma source(%dma_start3A_146 : memref<10000x128xf32, #tpu.memory_space<hbm>>) target(%arg12 : memref<128x128xf32, #tpu.memory_space<vmem>>) offsets(%arg6 : memref<128xi32, #tpu.memory_space<vmem>>) semaphore(%arg18 : memref<!tpu.dma_semaphore, #tpu.memory_space<semaphore_mem>>)
      } else {
      }
      "tpu.region"() ({
        %run_scoped3A = tpu.sem_alloc : memref<!tpu.dma_semaphore, #tpu.memory_space<semaphore_mem>>
        %dma_start3A_142 = tpu.memref_slice %arg3[%add3A_83] : memref<320000xi32, #tpu.memory_space<hbm>> -> memref<128xi32, #tpu.memory_space<hbm>>
        %dma_start3A_143 = tpu.memref_slice %arg3[%add3A_83] : memref<320000xi32, #tpu.memory_space<hbm>> -> memref<128xi32, #tpu.memory_space<hbm>>
        tpu.enqueue_dma source(%dma_start3A_143 : memref<128xi32, #tpu.memory_space<hbm>>) target(%arg11 : memref<128xi32, #tpu.memory_space<vmem>>) target_semaphore(%run_scoped3A : memref<!tpu.dma_semaphore, #tpu.memory_space<semaphore_mem>>)
        %dma_wait3A_144 = tpu.memref_slice %arg3[%add3A_83] : memref<320000xi32, #tpu.memory_space<hbm>> -> memref<128xi32, #tpu.memory_space<hbm>>
        %dma_wait3A_145 = tpu.memref_slice %arg3[%add3A_83] : memref<320000xi32, #tpu.memory_space<hbm>> -> memref<128xi32, #tpu.memory_space<hbm>>
        tpu.wait_dma2 semaphore(%run_scoped3A : memref<!tpu.dma_semaphore, #tpu.memory_space<semaphore_mem>>) src(%dma_wait3A_145 : memref<128xi32, #tpu.memory_space<hbm>>) dst(%arg11 : memref<128xi32, #tpu.memory_space<vmem>>)
        tpu.yield
      }) : () -> ()
      %dma_wait3A_120 = arith.constant 0 : i32
      %dma_wait3A_121 = arith.constant 0 : i32
      %dma_wait3A_122 = tpu.memref_slice %arg4[%dma_wait3A_120, %dma_wait3A_121] : memref<10000x128xf32, #tpu.memory_space<hbm>> -> memref<128x128xf32, #tpu.memory_space<hbm>>
      %dma_wait3A_123 = arith.constant 0 : i32
      %dma_wait3A_124 = arith.constant 0 : i32
      %dma_wait3A_125 = tpu.memref_slice %arg4[%dma_wait3A_123, %dma_wait3A_124] : memref<10000x128xf32, #tpu.memory_space<hbm>> -> memref<128x128xf32, #tpu.memory_space<hbm>>
      tpu.wait_dma2 semaphore(%arg18 : memref<!tpu.dma_semaphore, #tpu.memory_space<semaphore_mem>>) src(%dma_wait3A_125 : memref<128x128xf32, #tpu.memory_space<hbm>>) dst(%arg14 : memref<128x128xf32, #tpu.memory_space<vmem>>)
      %dma_start3A_126 = arith.constant 0 : i32
      %dma_start3A_127 = arith.constant 0 : i32
      %dma_start3A_128 = tpu.memref_slice %arg17[%dma_start3A_126, %dma_start3A_127] : memref<10000x128xf32, #tpu.memory_space<vmem_shared>> -> memref<10000x128xf32, #tpu.memory_space<vmem_shared>>
      tpu.enqueue_indirect_dma source(%arg14 : memref<128x128xf32, #tpu.memory_space<vmem>>) target(%dma_start3A_128 : memref<10000x128xf32, #tpu.memory_space<vmem_shared>>) offsets(%arg11 : memref<128xi32, #tpu.memory_space<vmem>>) semaphore(%arg19 : memref<!tpu.dma_semaphore, #tpu.memory_space<semaphore_mem>>) {add = true}
      %dma_wait3A_129 = arith.constant 0 : i32
      %dma_wait3A_130 = arith.constant 0 : i32
      %dma_wait3A_131 = tpu.memref_slice %arg17[%dma_wait3A_129, %dma_wait3A_130] : memref<10000x128xf32, #tpu.memory_space<vmem_shared>> -> memref<10000x128xf32, #tpu.memory_space<vmem_shared>>
      tpu.wait_indirect_dma semaphore(%arg19 : memref<!tpu.dma_semaphore, #tpu.memory_space<semaphore_mem>>) src(%arg13 : memref<128x128xf32, #tpu.memory_space<vmem>>) dst(%dma_wait3A_131 : memref<10000x128xf32, #tpu.memory_space<vmem_shared>>)
      %mul3A_132 = arith.constant 3 : i32
      %mul3A_133 = arith.muli %mul3A_132, %scan3A_63 : i32
      %add3A_134 = arith.constant 4 : i32
      %add3A_135 = arith.addi %mul3A_133, %add3A_134 : i32
      %lt3A_136 = arith.constant 78 : i32
      %lt3A_137 = arith.cmpi slt, %add3A_135, %lt3A_136 : i32
      %convert_element_type3A_138 = arith.extui %lt3A_137 : i1 to i32
      %cond3A_139 = arith.constant 0 : i32
      %cond3A_140 = arith.cmpi ne, %convert_element_type3A_138, %cond3A_139 : i32
      scf.if %cond3A_140 {
        %add3A_142 = arith.constant 256 : i32
        %add3A_143 = arith.addi %add3A_83, %add3A_142 : i32
        "tpu.region"() ({
          %run_scoped3A = tpu.sem_alloc : memref<!tpu.dma_semaphore, #tpu.memory_space<semaphore_mem>>
          %dma_start3A_147 = tpu.memref_slice %arg2[%add3A_143] : memref<320000xi32, #tpu.memory_space<hbm>> -> memref<128xi32, #tpu.memory_space<hbm>>
          %dma_start3A_148 = tpu.memref_slice %arg2[%add3A_143] : memref<320000xi32, #tpu.memory_space<hbm>> -> memref<128xi32, #tpu.memory_space<hbm>>
          tpu.enqueue_dma source(%dma_start3A_148 : memref<128xi32, #tpu.memory_space<hbm>>) target(%arg8 : memref<128xi32, #tpu.memory_space<vmem>>) target_semaphore(%run_scoped3A : memref<!tpu.dma_semaphore, #tpu.memory_space<semaphore_mem>>)
          %dma_wait3A_149 = tpu.memref_slice %arg2[%add3A_143] : memref<320000xi32, #tpu.memory_space<hbm>> -> memref<128xi32, #tpu.memory_space<hbm>>
          %dma_wait3A_150 = tpu.memref_slice %arg2[%add3A_143] : memref<320000xi32, #tpu.memory_space<hbm>> -> memref<128xi32, #tpu.memory_space<hbm>>
          tpu.wait_dma2 semaphore(%run_scoped3A : memref<!tpu.dma_semaphore, #tpu.memory_space<semaphore_mem>>) src(%dma_wait3A_150 : memref<128xi32, #tpu.memory_space<hbm>>) dst(%arg8 : memref<128xi32, #tpu.memory_space<vmem>>)
          tpu.yield
        }) : () -> ()
        %dma_start3A_144 = arith.constant 0 : i32
        %dma_start3A_145 = arith.constant 0 : i32
        %dma_start3A_146 = tpu.memref_slice %arg4[%dma_start3A_144, %dma_start3A_145] : memref<10000x128xf32, #tpu.memory_space<hbm>> -> memref<10000x128xf32, #tpu.memory_space<hbm>>
        tpu.enqueue_indirect_dma source(%dma_start3A_146 : memref<10000x128xf32, #tpu.memory_space<hbm>>) target(%arg13 : memref<128x128xf32, #tpu.memory_space<vmem>>) offsets(%arg8 : memref<128xi32, #tpu.memory_space<vmem>>) semaphore(%arg18 : memref<!tpu.dma_semaphore, #tpu.memory_space<semaphore_mem>>)
      } else {
      }
      %scan3A_141 = arith.constant 0 : i32
      scf.yield %scan3A_141 : i32
    }
    %scan3A_31 = arith.constant 26 : i32
    %dma_wait3A = arith.constant 0 : i32
    %dma_wait3A_32 = arith.constant 0 : i32
    %dma_wait3A_33 = tpu.memref_slice %arg17[%dma_wait3A, %dma_wait3A_32] : memref<10000x128xf32, #tpu.memory_space<vmem_shared>> -> memref<10000x128xf32, #tpu.memory_space<vmem_shared>>
    tpu.wait_indirect_dma semaphore(%arg19 : memref<!tpu.dma_semaphore, #tpu.memory_space<semaphore_mem>>) src(%arg14 : memref<128x128xf32, #tpu.memory_space<vmem>>) dst(%dma_wait3A_33 : memref<10000x128xf32, #tpu.memory_space<vmem_shared>>)
    %add3A_34 = arith.constant 9984 : i32
    %add3A_35 = arith.addi %mul3A_2, %add3A_34 : i32
    "tpu.region"() ({
      %run_scoped3A = tpu.sem_alloc : memref<!tpu.dma_semaphore, #tpu.memory_space<semaphore_mem>>
      %dma_start3A_63 = tpu.memref_slice %arg2[%add3A_35] : memref<320000xi32, #tpu.memory_space<hbm>> -> memref<16xi32, #tpu.memory_space<hbm>>
      %dma_start3A_64 = tpu.memref_slice %arg2[%add3A_35] : memref<320000xi32, #tpu.memory_space<hbm>> -> memref<16xi32, #tpu.memory_space<hbm>>
      tpu.enqueue_dma source(%dma_start3A_64 : memref<16xi32, #tpu.memory_space<hbm>>) target(%arg15 : memref<16xi32, #tpu.memory_space<vmem>>) target_semaphore(%run_scoped3A : memref<!tpu.dma_semaphore, #tpu.memory_space<semaphore_mem>>)
      %dma_wait3A_65 = tpu.memref_slice %arg2[%add3A_35] : memref<320000xi32, #tpu.memory_space<hbm>> -> memref<16xi32, #tpu.memory_space<hbm>>
      %dma_wait3A_66 = tpu.memref_slice %arg2[%add3A_35] : memref<320000xi32, #tpu.memory_space<hbm>> -> memref<16xi32, #tpu.memory_space<hbm>>
      tpu.wait_dma2 semaphore(%run_scoped3A : memref<!tpu.dma_semaphore, #tpu.memory_space<semaphore_mem>>) src(%dma_wait3A_66 : memref<16xi32, #tpu.memory_space<hbm>>) dst(%arg15 : memref<16xi32, #tpu.memory_space<vmem>>)
      tpu.yield
    }) : () -> ()
    "tpu.region"() ({
      %run_scoped3A = tpu.sem_alloc : memref<!tpu.dma_semaphore, #tpu.memory_space<semaphore_mem>>
      %dma_start3A_63 = tpu.memref_slice %arg3[%add3A_35] : memref<320000xi32, #tpu.memory_space<hbm>> -> memref<16xi32, #tpu.memory_space<hbm>>
      %dma_start3A_64 = tpu.memref_slice %arg3[%add3A_35] : memref<320000xi32, #tpu.memory_space<hbm>> -> memref<16xi32, #tpu.memory_space<hbm>>
      tpu.enqueue_dma source(%dma_start3A_64 : memref<16xi32, #tpu.memory_space<hbm>>) target(%arg16 : memref<16xi32, #tpu.memory_space<vmem>>) target_semaphore(%run_scoped3A : memref<!tpu.dma_semaphore, #tpu.memory_space<semaphore_mem>>)
      %dma_wait3A_65 = tpu.memref_slice %arg3[%add3A_35] : memref<320000xi32, #tpu.memory_space<hbm>> -> memref<16xi32, #tpu.memory_space<hbm>>
      %dma_wait3A_66 = tpu.memref_slice %arg3[%add3A_35] : memref<320000xi32, #tpu.memory_space<hbm>> -> memref<16xi32, #tpu.memory_space<hbm>>
      tpu.wait_dma2 semaphore(%run_scoped3A : memref<!tpu.dma_semaphore, #tpu.memory_space<semaphore_mem>>) src(%dma_wait3A_66 : memref<16xi32, #tpu.memory_space<hbm>>) dst(%arg16 : memref<16xi32, #tpu.memory_space<vmem>>)
      tpu.yield
    }) : () -> ()
    %dma_start3A_36 = arith.constant 0 : i32
    %dma_start3A_37 = arith.constant 0 : i32
    %dma_start3A_38 = tpu.memref_slice %arg12[%dma_start3A_36, %dma_start3A_37] : memref<128x128xf32, #tpu.memory_space<vmem>> -> memref<16x128xf32, #tpu.memory_space<vmem>>
    %dma_start3A_39 = arith.constant 0 : i32
    %dma_start3A_40 = arith.constant 0 : i32
    %dma_start3A_41 = tpu.memref_slice %arg4[%dma_start3A_39, %dma_start3A_40] : memref<10000x128xf32, #tpu.memory_space<hbm>> -> memref<10000x128xf32, #tpu.memory_space<hbm>>
    tpu.enqueue_indirect_dma source(%dma_start3A_41 : memref<10000x128xf32, #tpu.memory_space<hbm>>) target(%dma_start3A_38 : memref<16x128xf32, #tpu.memory_space<vmem>>) offsets(%arg15 : memref<16xi32, #tpu.memory_space<vmem>>) semaphore(%arg18 : memref<!tpu.dma_semaphore, #tpu.memory_space<semaphore_mem>>)
    %dma_wait3A_42 = arith.constant 0 : i32
    %dma_wait3A_43 = arith.constant 0 : i32
    %dma_wait3A_44 = tpu.memref_slice %arg12[%dma_wait3A_42, %dma_wait3A_43] : memref<128x128xf32, #tpu.memory_space<vmem>> -> memref<16x128xf32, #tpu.memory_space<vmem>>
    %dma_wait3A_45 = arith.constant 0 : i32
    %dma_wait3A_46 = arith.constant 0 : i32
    %dma_wait3A_47 = tpu.memref_slice %arg4[%dma_wait3A_45, %dma_wait3A_46] : memref<10000x128xf32, #tpu.memory_space<hbm>> -> memref<10000x128xf32, #tpu.memory_space<hbm>>
    tpu.wait_indirect_dma semaphore(%arg18 : memref<!tpu.dma_semaphore, #tpu.memory_space<semaphore_mem>>) src(%dma_wait3A_47 : memref<10000x128xf32, #tpu.memory_space<hbm>>) dst(%dma_wait3A_44 : memref<16x128xf32, #tpu.memory_space<vmem>>)
    "tpu.region"() ({
      %run_scoped3A = tpu.sem_alloc : memref<!tpu.dma_semaphore, #tpu.memory_space<semaphore_mem>>
      %dma_start3A_63 = arith.constant 0 : i32
      %dma_start3A_64 = arith.constant 0 : i32
      %dma_start3A_65 = tpu.memref_slice %arg12[%dma_start3A_63, %dma_start3A_64] : memref<128x128xf32, #tpu.memory_space<vmem>> -> memref<16x128xf32, #tpu.memory_space<vmem>>
      %dma_start3A_66 = arith.constant 0 : i32
      %dma_start3A_67 = arith.constant 0 : i32
      %dma_start3A_68 = tpu.memref_slice %arg17[%dma_start3A_66, %dma_start3A_67] : memref<10000x128xf32, #tpu.memory_space<vmem_shared>> -> memref<10000x128xf32, #tpu.memory_space<vmem_shared>>
      tpu.enqueue_indirect_dma source(%dma_start3A_65 : memref<16x128xf32, #tpu.memory_space<vmem>>) target(%dma_start3A_68 : memref<10000x128xf32, #tpu.memory_space<vmem_shared>>) offsets(%arg16 : memref<16xi32, #tpu.memory_space<vmem>>) semaphore(%run_scoped3A : memref<!tpu.dma_semaphore, #tpu.memory_space<semaphore_mem>>) {add = true}
      %dma_wait3A_69 = arith.constant 0 : i32
      %dma_wait3A_70 = arith.constant 0 : i32
      %dma_wait3A_71 = tpu.memref_slice %arg12[%dma_wait3A_69, %dma_wait3A_70] : memref<128x128xf32, #tpu.memory_space<vmem>> -> memref<16x128xf32, #tpu.memory_space<vmem>>
      %dma_wait3A_72 = arith.constant 0 : i32
      %dma_wait3A_73 = arith.constant 0 : i32
      %dma_wait3A_74 = tpu.memref_slice %arg17[%dma_wait3A_72, %dma_wait3A_73] : memref<10000x128xf32, #tpu.memory_space<vmem_shared>> -> memref<10000x128xf32, #tpu.memory_space<vmem_shared>>
      tpu.wait_indirect_dma semaphore(%run_scoped3A : memref<!tpu.dma_semaphore, #tpu.memory_space<semaphore_mem>>) src(%dma_wait3A_71 : memref<16x128xf32, #tpu.memory_space<vmem>>) dst(%dma_wait3A_74 : memref<10000x128xf32, #tpu.memory_space<vmem_shared>>)
      tpu.yield
    }) : () -> ()
    %barrier3A_48 = arith.constant 0 : index
    tpu.barrier barrier_id(%barrier3A_48)
    %mul3A_49 = arith.constant 10000 : i32
    %mul3A_50 = arith.muli %arg0, %mul3A_49 : i32
    %scan3A_51 = arith.constant 0 : i32
    %scan3A_52 = arith.constant 0 : i32
    %scan3A_53 = arith.constant 5 : i32
    %scan3A_54 = arith.addi %scan3A_52, %scan3A_53 : i32
    %scan3A_55 = arith.constant 1 : i32
    %scan3A_56 = scf.for %scan3A_63 = %scan3A_52 to %scan3A_54 step %scan3A_55 iter_args(%scan3A_64 = %scan3A_51) -> (i32)  : i32 {
      %mul3A_65 = arith.constant 16 : i32
      %mul3A_66 = arith.muli %scan3A_63, %mul3A_65 : i32
      %add3A_67 = arith.addi %arg1, %mul3A_66 : i32
      %lt3A = arith.constant 78 : i32
      %lt3A_68 = arith.cmpi slt, %add3A_67, %lt3A : i32
      %convert_element_type3A_69 = arith.extui %lt3A_68 : i1 to i32
      %cond3A_70 = arith.constant 0 : i32
      %cond3A_71 = arith.cmpi ne, %convert_element_type3A_69, %cond3A_70 : i32
      scf.if %cond3A_71 {
        %mul3A_73 = arith.constant 128 : i32
        %mul3A_74 = arith.muli %add3A_67, %mul3A_73 : i32
        %mul3A_75 = arith.constant 128 : i32
        %mul3A_76 = arith.muli %add3A_67, %mul3A_75 : i32
        %add3A_77 = arith.addi %mul3A_50, %mul3A_76 : i32
        "tpu.region"() ({
          %run_scoped3A = tpu.sem_alloc : memref<!tpu.dma_semaphore, #tpu.memory_space<semaphore_mem>>
          %dma_start3A_78 = arith.constant 0 : i32
          %dma_start3A_79 = tpu.memref_slice %arg5[%add3A_77, %dma_start3A_78] : memref<20000x128xf32, #tpu.memory_space<hbm>> -> memref<128x128xf32, #tpu.memory_space<hbm>>
          %dma_start3A_80 = arith.constant 0 : i32
          %dma_start3A_81 = tpu.memref_slice %arg17[%mul3A_74, %dma_start3A_80] : memref<10000x128xf32, #tpu.memory_space<vmem_shared>> -> memref<128x128xf32, #tpu.memory_space<vmem_shared>>
          tpu.enqueue_dma source(%dma_start3A_81 : memref<128x128xf32, #tpu.memory_space<vmem_shared>>) target(%dma_start3A_79 : memref<128x128xf32, #tpu.memory_space<hbm>>) target_semaphore(%run_scoped3A : memref<!tpu.dma_semaphore, #tpu.memory_space<semaphore_mem>>)
          %dma_wait3A_82 = arith.constant 0 : i32
          %dma_wait3A_83 = tpu.memref_slice %arg5[%add3A_77, %dma_wait3A_82] : memref<20000x128xf32, #tpu.memory_space<hbm>> -> memref<128x128xf32, #tpu.memory_space<hbm>>
          %dma_wait3A_84 = arith.constant 0 : i32
          %dma_wait3A_85 = tpu.memref_slice %arg17[%mul3A_74, %dma_wait3A_84] : memref<10000x128xf32, #tpu.memory_space<vmem_shared>> -> memref<128x128xf32, #tpu.memory_space<vmem_shared>>
          tpu.wait_dma2 semaphore(%run_scoped3A : memref<!tpu.dma_semaphore, #tpu.memory_space<semaphore_mem>>) src(%dma_wait3A_85 : memref<128x128xf32, #tpu.memory_space<vmem_shared>>) dst(%dma_wait3A_83 : memref<128x128xf32, #tpu.memory_space<hbm>>)
          tpu.yield
        }) : () -> ()
      } else {
      }
      %scan3A_72 = arith.constant 0 : i32
      scf.yield %scan3A_72 : i32
    }
    %scan3A_57 = arith.constant 5 : i32
    %eq3A_58 = arith.constant 0 : i32
    %eq3A_59 = arith.cmpi eq, %arg1, %eq3A_58 : i32
    %convert_element_type3A_60 = arith.extui %eq3A_59 : i1 to i32
    %cond3A_61 = arith.constant 0 : i32
    %cond3A_62 = arith.cmpi ne, %convert_element_type3A_60, %cond3A_61 : i32
    scf.if %cond3A_62 {
      %add3A_63 = arith.constant 9984 : i32
      %add3A_64 = arith.addi %mul3A_50, %add3A_63 : i32
      "tpu.region"() ({
        %run_scoped3A = tpu.sem_alloc : memref<!tpu.dma_semaphore, #tpu.memory_space<semaphore_mem>>
        %dma_start3A_65 = arith.constant 0 : i32
        %dma_start3A_66 = tpu.memref_slice %arg5[%add3A_64, %dma_start3A_65] : memref<20000x128xf32, #tpu.memory_space<hbm>> -> memref<16x128xf32, #tpu.memory_space<hbm>>
        %dma_start3A_67 = arith.constant 9984 : i32
        %dma_start3A_68 = arith.constant 0 : i32
        %dma_start3A_69 = tpu.memref_slice %arg17[%dma_start3A_67, %dma_start3A_68] : memref<10000x128xf32, #tpu.memory_space<vmem_shared>> -> memref<16x128xf32, #tpu.memory_space<vmem_shared>>
        tpu.enqueue_dma source(%dma_start3A_69 : memref<16x128xf32, #tpu.memory_space<vmem_shared>>) target(%dma_start3A_66 : memref<16x128xf32, #tpu.memory_space<hbm>>) target_semaphore(%run_scoped3A : memref<!tpu.dma_semaphore, #tpu.memory_space<semaphore_mem>>)
        %dma_wait3A_70 = arith.constant 0 : i32
        %dma_wait3A_71 = tpu.memref_slice %arg5[%add3A_64, %dma_wait3A_70] : memref<20000x128xf32, #tpu.memory_space<hbm>> -> memref<16x128xf32, #tpu.memory_space<hbm>>
        %dma_wait3A_72 = arith.constant 9984 : i32
        %dma_wait3A_73 = arith.constant 0 : i32
        %dma_wait3A_74 = tpu.memref_slice %arg17[%dma_wait3A_72, %dma_wait3A_73] : memref<10000x128xf32, #tpu.memory_space<vmem_shared>> -> memref<16x128xf32, #tpu.memory_space<vmem_shared>>
        tpu.wait_dma2 semaphore(%run_scoped3A : memref<!tpu.dma_semaphore, #tpu.memory_space<semaphore_mem>>) src(%dma_wait3A_74 : memref<16x128xf32, #tpu.memory_space<vmem_shared>>) dst(%dma_wait3A_71 : memref<16x128xf32, #tpu.memory_space<hbm>>)
        tpu.yield
      }) : () -> ()
    } else {
    }
    return
  }
}

module attributes {stable_mosaic.version = 14 : i64} {
  func.func @_gW_body(%arg0: memref<10000x128xf32, #tpu.memory_space<vmem>>, %arg1: memref<128x128xf32, #tpu.memory_space<vmem>>, %arg2: memref<20000xf32, #tpu.memory_space<vmem>>, %arg3: memref<10000x128xf32, #tpu.memory_space<vmem>>) attributes {dimension_semantics = [], scalar_prefetch = 0 : i64, scratch_operands = 0 : i64, tpu.core_type = #tpu.core_type<tc>} {
    %get3A = arith.constant 0 : index
    %get3A_0 = arith.constant 0 : index
    %get3A_1 = vector.load %arg0[%get3A, %get3A_0] : memref<10000x128xf32, #tpu.memory_space<vmem>>, vector<10000x128xf32>
    %get3A_2 = arith.constant 0 : index
    %get3A_3 = arith.constant 0 : index
    %get3A_4 = vector.load %arg1[%get3A_2, %get3A_3] : memref<128x128xf32, #tpu.memory_space<vmem>>, vector<128x128xf32>
    %dot_general3A = arith.constant dense<0.000000e+00> : vector<10000x128xf32>
    %dot_general3A_5 = tpu.matmul %get3A_1, %get3A_4, %dot_general3A {dimension_numbers = #tpu.dot_dimension_numbers<[1], [0], [0], [1], [0, 0, 1, 1], [], []>, transpose_lhs_hint = false} : vector<10000x128xf32>, vector<128x128xf32>, vector<10000x128xf32> -> vector<10000x128xf32>
    %get3A_6 = arith.constant 0 : index
    %get3A_7 = vector.load %arg2[%get3A_6] : memref<20000xf32, #tpu.memory_space<vmem>>, vector<10000xf32>
    %get3A_8 = arith.constant 10000 : index
    %get3A_9 = vector.load %arg2[%get3A_8] : memref<20000xf32, #tpu.memory_space<vmem>>, vector<10000xf32>
    %add3A = arith.addf %get3A_7, %get3A_9 : vector<10000xf32>
    %add3A_10 = arith.constant 1.000000e+00 : f32
    %add3A_11 = vector.broadcast %add3A_10 : f32 to vector<10000xf32>
    %add3A_12 = arith.addf %add3A, %add3A_11 : vector<10000xf32>
    %rsqrt3A = math.rsqrt %add3A_12 : vector<10000xf32>
    %broadcast_in_dim3A = vector.shape_cast %rsqrt3A : vector<10000xf32> to vector<10000x1xf32>
    %mul3A = vector.broadcast %broadcast_in_dim3A : vector<10000x1xf32> to vector<10000x128xf32>
    %mul3A_13 = arith.mulf %dot_general3A_5, %mul3A : vector<10000x128xf32>
    %swap3A = arith.constant 0 : index
    %swap3A_14 = arith.constant 0 : index
    %swap3A_15 = vector.load %arg3[%swap3A, %swap3A_14] : memref<10000x128xf32, #tpu.memory_space<vmem>>, vector<10000x128xf32>
    tpu.vector_store %arg3[%swap3A, %swap3A_14], %mul3A_13 {strides = array<i32>} : memref<10000x128xf32, #tpu.memory_space<vmem>>, vector<10000x128xf32>,
    return
  }
}

module attributes {stable_mosaic.version = 14 : i64} {
  func.func @_epilogue_body(%arg0: memref<20000x128xf32, #tpu.memory_space<vmem>>, %arg1: memref<10000x128xf32, #tpu.memory_space<vmem>>, %arg2: memref<20000xf32, #tpu.memory_space<vmem>>, %arg3: memref<128xf32, #tpu.memory_space<vmem>>, %arg4: memref<128xf32, #tpu.memory_space<vmem>>, %arg5: memref<128xf32, #tpu.memory_space<vmem>>, %arg6: memref<10000x128xf32, #tpu.memory_space<vmem>>) attributes {dimension_semantics = [], scalar_prefetch = 0 : i64, scratch_operands = 0 : i64, tpu.core_type = #tpu.core_type<tc>} {
    %get3A = arith.constant 0 : index
    %get3A_0 = vector.load %arg2[%get3A] : memref<20000xf32, #tpu.memory_space<vmem>>, vector<10000xf32>
    %get3A_1 = arith.constant 10000 : index
    %get3A_2 = vector.load %arg2[%get3A_1] : memref<20000xf32, #tpu.memory_space<vmem>>, vector<10000xf32>
    %add3A = arith.addf %get3A_0, %get3A_2 : vector<10000xf32>
    %add3A_3 = arith.constant 1.000000e+00 : f32
    %add3A_4 = vector.broadcast %add3A_3 : f32 to vector<10000xf32>
    %add3A_5 = arith.addf %add3A, %add3A_4 : vector<10000xf32>
    %rsqrt3A = math.rsqrt %add3A_5 : vector<10000xf32>
    %get3A_6 = arith.constant 0 : index
    %get3A_7 = arith.constant 0 : index
    %get3A_8 = vector.load %arg0[%get3A_6, %get3A_7] : memref<20000x128xf32, #tpu.memory_space<vmem>>, vector<10000x128xf32>
    %get3A_9 = arith.constant 10000 : index
    %get3A_10 = arith.constant 0 : index
    %get3A_11 = vector.load %arg0[%get3A_9, %get3A_10] : memref<20000x128xf32, #tpu.memory_space<vmem>>, vector<10000x128xf32>
    %add3A_12 = arith.addf %get3A_8, %get3A_11 : vector<10000x128xf32>
    %get3A_13 = arith.constant 0 : index
    %get3A_14 = arith.constant 0 : index
    %get3A_15 = vector.load %arg1[%get3A_13, %get3A_14] : memref<10000x128xf32, #tpu.memory_space<vmem>>, vector<10000x128xf32>
    %add3A_16 = arith.addf %add3A_12, %get3A_15 : vector<10000x128xf32>
    %broadcast_in_dim3A = vector.shape_cast %rsqrt3A : vector<10000xf32> to vector<10000x1xf32>
    %mul3A = vector.broadcast %broadcast_in_dim3A : vector<10000x1xf32> to vector<10000x128xf32>
    %mul3A_17 = arith.mulf %add3A_16, %mul3A : vector<10000x128xf32>
    %get3A_18 = arith.constant 0 : index
    %get3A_19 = vector.load %arg3[%get3A_18] : memref<128xf32, #tpu.memory_space<vmem>>, vector<128xf32>
    %broadcast_in_dim3A_20 = vector.shape_cast %get3A_19 : vector<128xf32> to vector<1x128xf32>
    %add3A_21 = vector.broadcast %broadcast_in_dim3A_20 : vector<1x128xf32> to vector<10000x128xf32>
    %add3A_22 = arith.addf %mul3A_17, %add3A_21 : vector<10000x128xf32>
    %reduce_sum3A = arith.constant dense<0.000000e+00> : vector<128xf32>
    %reduce_sum3A_23 = vector.multi_reduction <add>, %add3A_22, %reduce_sum3A [0] : vector<10000x128xf32> to vector<128xf32>
    %div3A = arith.constant 1.000000e+04 : f32
    %div3A_24 = vector.broadcast %div3A : f32 to vector<128xf32>
    %div3A_25 = arith.divf %reduce_sum3A_23, %div3A_24 : vector<128xf32>
    %broadcast_in_dim3A_26 = vector.shape_cast %div3A_25 : vector<128xf32> to vector<1x128xf32>
    %sub3A = vector.broadcast %broadcast_in_dim3A_26 : vector<1x128xf32> to vector<10000x128xf32>
    %sub3A_27 = arith.subf %add3A_22, %sub3A : vector<10000x128xf32>
    %integer_pow3A = arith.mulf %sub3A_27, %sub3A_27 : vector<10000x128xf32>
    %reduce_sum3A_28 = arith.constant dense<0.000000e+00> : vector<128xf32>
    %reduce_sum3A_29 = vector.multi_reduction <add>, %integer_pow3A, %reduce_sum3A_28 [0] : vector<10000x128xf32> to vector<128xf32>
    %div3A_30 = arith.constant 1.000000e+04 : f32
    %div3A_31 = vector.broadcast %div3A_30 : f32 to vector<128xf32>
    %div3A_32 = arith.divf %reduce_sum3A_29, %div3A_31 : vector<128xf32>
    %get3A_33 = arith.constant 0 : index
    %get3A_34 = vector.load %arg4[%get3A_33] : memref<128xf32, #tpu.memory_space<vmem>>, vector<128xf32>
    %broadcast_in_dim3A_35 = vector.shape_cast %get3A_34 : vector<128xf32> to vector<1x128xf32>
    %broadcast_in_dim3A_36 = vector.shape_cast %div3A_25 : vector<128xf32> to vector<1x128xf32>
    %sub3A_37 = vector.broadcast %broadcast_in_dim3A_36 : vector<1x128xf32> to vector<10000x128xf32>
    %sub3A_38 = arith.subf %add3A_22, %sub3A_37 : vector<10000x128xf32>
    %mul3A_39 = vector.broadcast %broadcast_in_dim3A_35 : vector<1x128xf32> to vector<10000x128xf32>
    %mul3A_40 = arith.mulf %mul3A_39, %sub3A_38 : vector<10000x128xf32>
    %broadcast_in_dim3A_41 = vector.shape_cast %div3A_32 : vector<128xf32> to vector<1x128xf32>
    %add3A_42 = arith.constant 9.99999974E-6 : f32
    %add3A_43 = vector.broadcast %add3A_42 : f32 to vector<1x128xf32>
    %add3A_44 = arith.addf %broadcast_in_dim3A_41, %add3A_43 : vector<1x128xf32>
    %rsqrt3A_45 = math.rsqrt %add3A_44 : vector<1x128xf32>
    %mul3A_46 = vector.broadcast %rsqrt3A_45 : vector<1x128xf32> to vector<10000x128xf32>
    %mul3A_47 = arith.mulf %mul3A_40, %mul3A_46 : vector<10000x128xf32>
    %get3A_48 = arith.constant 0 : index
    %get3A_49 = vector.load %arg5[%get3A_48] : memref<128xf32, #tpu.memory_space<vmem>>, vector<128xf32>
    %broadcast_in_dim3A_50 = vector.shape_cast %get3A_49 : vector<128xf32> to vector<1x128xf32>
    %add3A_51 = vector.broadcast %broadcast_in_dim3A_50 : vector<1x128xf32> to vector<10000x128xf32>
    %add3A_52 = arith.addf %mul3A_47, %add3A_51 : vector<10000x128xf32>
    %max3A = arith.constant 0.000000e+00 : f32
    %max3A_53 = vector.broadcast %max3A : f32 to vector<10000x128xf32>
    %max3A_54 = arith.maximumf %add3A_52, %max3A_53 : vector<10000x128xf32>
    %swap3A = arith.constant 0 : index
    %swap3A_55 = arith.constant 0 : index
    %swap3A_56 = vector.load %arg6[%swap3A, %swap3A_55] : memref<10000x128xf32, #tpu.memory_space<vmem>>, vector<10000x128xf32>
    tpu.vector_store %arg6[%swap3A, %swap3A_55], %max3A_54 {strides = array<i32>} : memref<10000x128xf32, #tpu.memory_space<vmem>>, vector<10000x128xf32>,
    return
  }
}

</mosaic_0001>

<sc_bundles>
// kernel: kernel.6.cloned.1.call-start
scs
__scs_entry_jumppad:
0x0: {  	(pc) =	sbr.rel $0x88, $3  }
0x1: {  	(tag) =	ssettag $0x0;
	lr =	simm.s32 $0x1  }
0x2: {  	[smem:$0x3F9B] =	sst lr;
	_ =	strace $0xD0000000  }
0x3: {  	_ = 	snop  }
0x4: {  	_ = 	snop  }
0x5: {  	_ = 	snop  }
0x6: {  	_ = 	snop  }
0x7: {  	_ = 	snop  }
__scs_overlays_trampoline_lowered:
0x8: {  	[smem:$0x3FAA] =	sst s0  }
0x9: {  	[smem:$0x3FAB] =	sst s1  }
0xa: {  	[smem:$0x3FAC] =	sst s2  }
0xb: {  	[smem:$0x3FAD] =	sst s3  }
0xc: {  	[smem:$0x3FAE] =	sst s4  }
0xd: {  	[smem:$0x3FAF] =	sst s5  }
0xe: {  	[smem:$0x3FB0] =	sst s6  }
0xf: {  	[smem:$0x3FB1] =	sst s7  }
0x10: {  	[smem:$0x3FB2] =	sst s8  }
0x11: {  	[smem:$0x3FB3] =	sst s9;
	s0 =	simm.s32 @!p0 $0x0  }
0x12: {  	s1 =	sld [smem:$0x3F99];
	s0 =	simm.s32 @p0 $0x1  }
0x13: {  	[smem:$0x3FB4] =	sst s0;
	s0 =	simm.s32 @!p1 $0x0  }
0x14: {  	s2 =	sld [smem:$0x3F98];
	s0 =	simm.s32 @p1 $0x1  }
0x15: {  	[smem:$0x3FB5] =	sst s0;
	s0 =	simm.s32 @!p2 $0x0  }
0x16: {  	s3 =	sld [smem:$0x3FDB];
	s0 =	simm.s32 @p2 $0x1  }
0x17: {  	s4 =	simm.s32 $0x1BF5;
	[smem:$0x3FB7] =	sst s0  }
0x18: {  	s0 =	sld [smem:$0x3F9A];
	_ =	swait.ge [sflag:s4], $0x0  }
0x19: {  	s7 =	sld [smem:$0x3F9B]  }
0x1a: {  	s8 =	sadd.s32 $0xFFFFE003, lr  }
0x1b: {  	s9 =	sadd.s32 $0xFFFFFEF7, lr;
	s5 =	simm.s32 $0xFFFFFFFF;
	p2 =	slt.u32 s8, $0xFFFFF086  }
0x1c: {  	p1 =	slt.u32 s9, $0xF7A;
	s5 =	simm.s32 @!p2 $0x0  }
0x1d: {  	s5 =	simm.s32 @p1 $0x1;
	p0 =	seq.s32 s7, s2  }
0x1e: {  	s7 =	smul.u32 @!p0 $0xF7A, s2;
	p2 =	seq.s32 @!p0 s5, $0x0  }
0x1f: {  	s9 =	smul.u32 $0xF7A, s1;
	s8 =	simm.s32 @!p0 $0x1BF5;
	p2 =	por !p2, p0  }
0x20: {  	[sflag:s8] =	ssyncset.s32 @!p0 $0xFFFFF086;
	s6 =	sadd.s32 @!p0 s3, s7;
	s7 =	simm.s32 @!p0 $0x108  }
0x21: {  	s3 =	sadd.s32 s3, s9;
	s6 =	sadd.s32 @!p0 $0x88, s6;
	s7 =	simm.s32 @p2 $0x1082  }
0x22: {  	[simem:s7], [sflag:s8] =	dma.local @!p0 [hbm:s6], $0xF7A  }
0x23: {  	s9 =	sor.u32 $0xD0000000, s2;
	s6 =	simm.s32 $0x108;
	_ =	swait.ge @!p0 [sflag:s8], $0x0  }
0x24: {  	s3 =	sadd.s32 $0x88, s3;
	s6 =	simm.s32 @!p1 $0x1082;
	[sflag:s4] =	ssyncset.s32 $0xFFFFF086  }
0x25: {  	[simem:s6], [sflag:s4] =	dma.local [hbm:s3], $0xF7A  }
0x26: {  	[smem:$0x3F9B] =	sst s1;
	(tag) =	ssettag s2;
	_ =	strace s9  }
0x27: {  	s1 =	sld [smem:$0x3FAB]  }
0x28: {  	s2 =	sld [smem:$0x3FAC]  }
0x29: {  	s4 =	sld [smem:$0x3FAE]  }
0x2a: {  	p0 =	seq.s32 s5, $0x0;
	s5 =	sld [smem:$0x3FAF]  }
0x2b: {  	s6 =	sld [smem:$0x3FB0]  }
0x2c: {  	s7 =	sld [smem:$0x3FB1]  }
0x2d: {  	s3 =	simm.s32 $0x108;
	s8 =	sld [smem:$0x3FB2]  }
0x2e: {  	s3 =	simm.s32 @!p0 $0x1082;
	s9 =	sld [smem:$0x3FB3]  }
0x2f: {  	lr =	sadd.s32 s0, s3;
	s0 =	sld [smem:$0x3FAA]  }
0x30: {  	s3 =	sld [smem:$0x3FAD]  }
0x31: {  	[smem:$0x3FB6] =	sst s10  }
0x32: {  	s10 =	sld [smem:$0x3FB4];
	_ =	sdelay $0x3  }
0x33: {  	p0 =	seq.s32 s10, $0x1;
	s10 =	sld [smem:$0x3FB6];
	_ =	sdelay $0x3  }
0x34: {  	[smem:$0x3FB6] =	sst s10  }
0x35: {  	s10 =	sld [smem:$0x3FB5];
	_ =	sdelay $0x3  }
0x36: {  	p1 =	seq.s32 s10, $0x1;
	s10 =	sld [smem:$0x3FB6];
	_ =	sdelay $0x3  }
0x37: {  	[smem:$0x3FB6] =	sst s10  }
0x38: {  	s10 =	sld [smem:$0x3FB7]  }
0x39: {  	_ = 	snop;
	(pc) =	sbr.ind lr, $3  }
0x3a: {  	_ = 	snop  }
0x3b: {  	_ = 	snop  }
0x3c: {  	p2 =	seq.s32 s10, $0x1;
	s10 =	sld [smem:$0x3FB6]  }
0x3d: {  	_ =	shalt  }
0x3e: {  	_ =	shalt  }
0x3f: {  	_ =	shalt  }
0x40: {  	_ =	shalt  }
0x41: {  	_ =	shalt  }
0x42: {  	_ =	shalt  }
0x43: {  	_ =	shalt  }
0x44: {  	_ =	shalt  }
0x45: {  	_ =	shalt  }
0x46: {  	_ =	shalt  }
0x47: {  	_ =	shalt  }
0x48: {  	_ =	shalt  }
0x49: {  	_ =	shalt  }
0x4a: {  	_ =	shalt  }
0x4b: {  	_ =	shalt  }
0x4c: {  	_ =	shalt  }
0x4d: {  	_ =	shalt  }
0x4e: {  	_ =	shalt  }
0x4f: {  	_ =	shalt  }
0x50: {  	_ =	shalt  }
0x51: {  	_ =	shalt  }
0x52: {  	_ =	shalt  }
0x53: {  	_ =	shalt  }
0x54: {  	_ =	shalt  }
0x55: {  	_ =	shalt  }
0x56: {  	_ =	shalt  }
0x57: {  	_ =	shalt  }
0x58: {  	_ =	shalt  }
0x59: {  	_ =	shalt  }
0x5a: {  	_ =	shalt  }
0x5b: {  	_ =	shalt  }
0x5c: {  	_ =	shalt  }
0x5d: {  	_ =	shalt  }
0x5e: {  	_ =	shalt  }
0x5f: {  	_ =	shalt  }
0x60: {  	_ =	shalt  }
0x61: {  	_ =	shalt  }
0x62: {  	_ =	shalt  }
0x63: {  	_ =	shalt  }
0x64: {  	_ =	shalt  }
0x65: {  	_ =	shalt  }
0x66: {  	_ =	shalt  }
0x67: {  	_ =	shalt  }
0x68: {  	_ =	shalt  }
0x69: {  	_ =	shalt  }
0x6a: {  	_ =	shalt  }
0x6b: {  	_ =	shalt  }
0x6c: {  	_ =	shalt  }
0x6d: {  	_ =	shalt  }
0x6e: {  	_ =	shalt  }
0x6f: {  	_ =	shalt  }
0x70: {  	_ =	shalt  }
0x71: {  	_ =	shalt  }
0x72: {  	_ =	shalt  }
0x73: {  	_ =	shalt  }
0x74: {  	_ =	shalt  }
0x75: {  	_ =	shalt  }
0x76: {  	_ =	shalt  }
0x77: {  	_ =	shalt  }
0x78: {  	_ =	shalt  }
0x79: {  	_ =	shalt  }
0x7a: {  	_ =	shalt  }
0x7b: {  	_ =	shalt  }
0x7c: {  	_ =	shalt  }
0x7d: {  	_ =	shalt  }
0x7e: {  	_ =	shalt  }
0x7f: {  	_ =	shalt  }
0x80: {  	_ =	shalt  }
0x81: {  	_ =	shalt  }
0x82: {  	_ =	shalt  }
0x83: {  	_ =	shalt  }
0x84: {  	_ =	shalt  }
0x85: {  	_ =	shalt  }
0x86: {  	_ =	shalt  }
0x87: {  	_ =	shalt  }
.Lfunc_end0:
.L_simem_size_0:
called_computation_lowered:
.L_overlay_start_0:
0x88: {  	s2 =	sld [smem:$0x3FD9]  }
0x89: {  	s3 =	sld [smem:$0x3FFE];
	_ =	sdelay $0x1  }
0x8a: {  	s1 =	srdreg.scid  }
0x8b: {  	s0 =	sand.u32 $0x1, s1  }
0x8c: {  	s17 =	sshll.u32 s0, $0xA;
	s2 =	sadd.s32 s3, s2  }
0x8d: {  	s2 =	sadd.s32 s2, s17  }
0x8e: {  	[smem:$0x3FC2] =	sst s2  }
0x8f: {  	_ = 	snop  }
0x90: {  	s2 =	sld [smem:$0x3FD0];
	(tm) =	ssettm $0x1  }
0x91: {  	s18 =	sld [smem:$0x3FFB];
	_ =	sdelay $0x3  }
0x92: {  	_ =	strace s18  }
0x93: {  	s3 =	sld [smem:$0x3FFC];
	_ =	sdelay $0x3  }
0x94: {  	_ =	strace s3  }
0x95: {  	s3 =	sld [smem:$0x3FFD];
	_ =	sdelay $0x3  }
0x96: {  	_ =	strace s3  }
0x97: {  	_ =	strace $0x8FFFFFFF  }
0x98: {  	s19 =	sld [smem:$0x3FDB];
	_ =	sdelay $0x1  }
0x99: {  	s4 =	simm.s32 $_scs_section_size  }
0x9a: {  	s5 =	simm.s32 $_size__tile_overlayer_lowered;
	s6 =	simm.s32 $_tile_overlayer_lowered  }
0x9b: {  	s22 =	simm.s32 $0x1BFF;
	s21 =	sshll.u32 s6, $0x1;
	s3 =	sadd.s32 s4, s19  }
0x9c: {  	s7 =	simm.s32 $0x0;
	s20 =	sshll.u32 s5, $0x1;
	s5 =	sadd.s32 s21, s3  }
0x9d: {  	[timem:s7], [sflag:s22] =	dma.local [hbm:s5], s20  }
0x9e: {  	_ =	swait.ge [sflag:s22], s20  }
0x9f: {  	s4 =	ssub.s32 $0x0, s20;
	[sflag:s22] =	ssyncset.done $0x0  }
0xa0: {  	[sflag:s22] =	ssyncadd.s32 s4;
	_ =	sdelay $0x1  }
0xa1: {  	s23 =	simm.s32 $0x1B8B  }
0xa2: {  	_ =	swait.ge [sflag:s23], $0x1  }
0xa3: {  	[sflag:s23] =	ssyncset.done $0x0  }
0xa4: {  	s25 =	simm.s32 $0x1B8E;
	s24 =	sld [smem:$0x3FFE];
	[sflag:s23] =	ssyncadd.s32 $0xFFFFFFFF  }
0xa5: {  	s26 =	simm.s32 $execute0_lowered;
	[smem:$0x3FD2] =	sst s25  }
0xa6: {  	s5 =	sshll.u32 s26, $0x1;
	_ =	strace $0x80000046;
	[dreg:$0x1] =	wrdreg $0xFFFFFFFF  }
0xa7: {  	s28 =	simm.s32 $_size_execute0_lowered;
	s3 =	sadd.s32 s3, s5;
	[dreg:$0x0] =	wrdreg $0x0  }
0xa8: {  	s5 =	sshll.u32 s28, $0x1;
	[dreg:$0x2] =	wrdreg s3  }
0xa9: {  	[dreg:$0x3] =	wrdreg s5  }
0xaa: {  	[dreg:$0x4] =	wrdreg $0xC0  }
0xab: {  	_ =	task [dreg:s7], $0x5FFFF  }
0xac: {  	[dreg:$0x1] =	wrdreg $0xFFFFFFFF  }
0xad: {  	[dreg:$0x0] =	wrdreg $0x60  }
0xae: {  	[dreg:$0x2] =	wrdreg s2  }
0xaf: {  	[dreg:$0x3] =	wrdreg s24  }
0xb0: {  	[dreg:$0x4] =	wrdreg $0x2C800  }
0xb1: {  	[dreg:$0x5] =	wrdreg $0x9  }
0xb2: {  	_ =	task.clear_ibuf [dreg:s7], $0x6FFFF;
	_ =	strace $0x90000046  }
0xb3: {  	s29 =	simm.s32 $0x9;
	_ =	strace $0x80000048  }
0xb4: {  	_ =	swait.ge [sflag:s29], $0x1  }
0xb5: {  	[sflag:s29] =	ssyncadd.s32 $0xFFFFFFFF  }
0xb6: {  	_ =	strace $0x90000048  }
0xb7: {  	_ =	sfence  }
0xb8: {  	s30 =	sld [smem:$0x0];
	_ =	sdelay $0x2  }
0xb9: {  	s31 =	sshll.u32 s1, $0xD;
	s1 =	sshrl.u32 s1, $0x2  }
0xba: {  	s3 =	sand.u32 $0x4000, s31;
	s1 =	sadd.s32 s1, s30  }
0xbb: {  	s0 =	sor.u32 s3, s0;
	s1 =	sshll.u32 s1, $0x11  }
0xbc: {  	s0 =	sor.u32 s1, s0  }
0xbd: {  	s0 =	sadd.s32 $0x8F2B, s0  }
0xbe: {  	[sflag:s0] =	ssyncadd.remote.s32 $0x1  }
0xbf: {  	_ =	sfence.sel $0xFFFF  }
0xc0: {  	[dreg:$0x0] =	wrdreg $0xFFFFFFFF;
	(pc) =	sbr.abs _section_cstart, $3  }
0xc1: {  	[dreg:$0x1] =	wrdreg $0xFFFFFFFF  }
0xc2: {  	_ =	task.clear_ibuf [dreg:s7], $0x2FFFF;
	_ =	strace $0x9FFFFFFF  }
0xc3: {  	(tm) =	ssettm $0x7FFFFFFF  }
tec
execute0_lowered:
.L_overlay_start_1:
0x0: {  	(tag) =	ssettag $0x1  }
0x1: {  	s3 =	rddreg [dreg:$0x0]  }
0x2: {  	s4 =	rddreg [dreg:$0x1]  }
0x3: {  	s0 =	srdreg.scid;
	s1 =	rddreg [dreg:$0x2]  }
0x4: {  	s20 =	stileid.u32;
	s2 =	simm.s32 $0x0;
	s17 =	simm.s32 $0x2  }
0x5: {  	s18 =	simm.s32 $0x80;
	s5 =	sand.u32 $0x1, s0;
	s0 =	rddreg [dreg:$0x3]  }
0x6: {  	s19 =	simm.s32 $0x2800;
	s21 =	simm.s32 $0x0;
	[smem:$0x7FF] =	sst s2  }
0x7: {  	s9 =	sadd.s32 $0x15600, s4;
	s30 =	sshll.u32 s20, $0xA;
	s4 =	sadd.s32 $0x2400, s1  }
0x8: {  	s11 =	sadd.s32 $0xC00, s1;
	s12 =	sadd.s32 $0x1000, s1;
	s13 =	sadd.s32 $0x1400, s1  }
0x9: {  	s14 =	sadd.s32 $0x1800, s1;
	s15 =	sadd.s32 $0x1C00, s1;
	s16 =	sadd.s32 $0x2000, s1  }
0xa: {  	p0 =	sne.s32 s20, $0x0;
	p1 =	sgt.u32 s20, $0x8;
	s6 =	sshll.u32 s5, $0x4  }
0xb: {  	s7 =	ssub.s32 $0x2, s5;
	_ =	strace $0x80000047;
	s5 =	smul.u32 $0x2710, s5  }
0xc: {  	p2 =	sne.s32 @p1 s20, $0xF;
	s6 =	sor.u32 s20, s6;
	s8 =	sshrl.u32 s7, $0x1  }
0xd: {  	s20 =	simm.s32 $0x1;
	p2 =	por p2, !p1;
	s6 =	smul.u32 $0x500, s6  }
0xe: {  	s8 =	ssub.s32 s7, s8;
	s31 =	sshrl.u32 s5, $0x3;
	s5 =	sadd.s32 s30, s5  }
0xf: {  	s10 =	sshrl.u32 s5, $0x3;
	s8 =	smax.u32 s8, $0x1;
	s3 =	sadd.s32 s3, s6  }
0x10: {  	s6 =	sadd.s32 s9, s31;
	s7 =	sadd.s32 s9, s10;
	s9 =	sadd.s32 $0x400, s1  }
0x11: {  	v0 =	vimm.f32 $1.000000000e+00;
	v1 =	vimm.f32 $0.0e+00;
	s10 =	sadd.s32 $0x800, s1;
	s5 =	sadd.s32 $0x480, s6;
	s6 =	sadd.s32 s30, s1  }
.LBB2_1:
0x12: {  	[tilespmem:s2], [sflag:$0x2] =	stream.linear.gather [hbm4b:s3+s2], $0x2780, $0x38;
	[tilespmem:$0x2F00] =	vst v63  }
0x13: {  	_ =	swait.ge [sflag:s17], $0x2780  }
0x14: {  	[sflag:s17] =	ssyncset.done $0x0  }
0x15: {  	[sflag:s17] =	ssyncadd.s32 $0xFFFFD880  }
0x16: {  	[tilespmem:$0x2800] =	vst v0  }
0x17: {  	[tilespmem:$0x2810] =	vst v0  }
0x18: {  	[tilespmem:$0x2820] =	vst v0  }
0x19: {  	[tilespmem:$0x2830] =	vst v0  }
0x1a: {  	[tilespmem:$0x2840] =	vst v0  }
0x1b: {  	[tilespmem:$0x2850] =	vst v0  }
0x1c: {  	[tilespmem:$0x2860] =	vst v0  }
0x1d: {  	s22 =	simm.s32 $0x40;
	s23 =	simm.s32 $0x0;
	[tilespmem:$0x2870] =	vst v0  }
.LBB2_2:
0x1e: {  	p3 =	sne.s32 s22, $0xFC0;
	[tilespmem:s23+$0x2880] =	vst v1;
	s23 =	smov.u32 s22;
	s22 =	sadd.s32 $0x40, s22  }
.Ltmp0:
0x1f: {  	(pc) =	sbr.rel @p3 .LBB2_2-.Ltmp0, $2  }
0x20: {  	_ =	sdelay $0x2  }
0x21: {  	s23 =	sshra.s32 s23, $0x2  }
0x22: {  	[tilespmem:s23+$0x2880] =	vst v1;
	s22 =	simm.s32 @!p0 $0x2880;
	s23 =	simm.s32 @!p0 $0x2  }
0x23: {  	[spmem:s1] =	stream.linear.scatter @!p0 [tilespmem:s22], [sflag:$0x2], $0x400, $0x38;
	[tilespmem:$0x2F00] =	vst v63  }
0x24: {  	_ =	swait.ge @!p0 [sflag:s23], $0x400  }
0x25: {  	[sflag:s23] =	ssyncset.done @!p0 $0x0  }
0x26: {  	[sflag:s23] =	ssyncadd.s32 @!p0 $0xFFFFFC00  }
0x27: {  	[spmem:s9] =	stream.linear.scatter @!p0 [tilespmem:s22], [sflag:$0x2], $0x400, $0x38;
	[tilespmem:$0x2F00] =	vst v63  }
0x28: {  	_ =	swait.ge @!p0 [sflag:s23], $0x400  }
0x29: {  	[sflag:s23] =	ssyncset.done @!p0 $0x0  }
0x2a: {  	[sflag:s23] =	ssyncadd.s32 @!p0 $0xFFFFFC00  }
0x2b: {  	[spmem:s10] =	stream.linear.scatter @!p0 [tilespmem:s22], [sflag:$0x2], $0x400, $0x38;
	[tilespmem:$0x2F00] =	vst v63  }
0x2c: {  	_ =	swait.ge @!p0 [sflag:s23], $0x400  }
0x2d: {  	[sflag:s23] =	ssyncset.done @!p0 $0x0  }
0x2e: {  	[sflag:s23] =	ssyncadd.s32 @!p0 $0xFFFFFC00  }
0x2f: {  	[spmem:s11] =	stream.linear.scatter @!p0 [tilespmem:s22], [sflag:$0x2], $0x400, $0x38;
	[tilespmem:$0x2F00] =	vst v63  }
0x30: {  	_ =	swait.ge @!p0 [sflag:s23], $0x400  }
0x31: {  	[sflag:s23] =	ssyncset.done @!p0 $0x0  }
0x32: {  	[sflag:s23] =	ssyncadd.s32 @!p0 $0xFFFFFC00  }
0x33: {  	[spmem:s12] =	stream.linear.scatter @!p0 [tilespmem:s22], [sflag:$0x2], $0x400, $0x38;
	[tilespmem:$0x2F00] =	vst v63  }
0x34: {  	_ =	swait.ge @!p0 [sflag:s23], $0x400  }
0x35: {  	[sflag:s23] =	ssyncset.done @!p0 $0x0  }
0x36: {  	[sflag:s23] =	ssyncadd.s32 @!p0 $0xFFFFFC00  }
0x37: {  	[spmem:s13] =	stream.linear.scatter @!p0 [tilespmem:s22], [sflag:$0x2], $0x400, $0x38;
	[tilespmem:$0x2F00] =	vst v63  }
0x38: {  	_ =	swait.ge @!p0 [sflag:s23], $0x400  }
0x39: {  	[sflag:s23] =	ssyncset.done @!p0 $0x0  }
0x3a: {  	[sflag:s23] =	ssyncadd.s32 @!p0 $0xFFFFFC00  }
0x3b: {  	[spmem:s14] =	stream.linear.scatter @!p0 [tilespmem:s22], [sflag:$0x2], $0x400, $0x38;
	[tilespmem:$0x2F00] =	vst v63  }
0x3c: {  	_ =	swait.ge @!p0 [sflag:s23], $0x400  }
0x3d: {  	[sflag:s23] =	ssyncset.done @!p0 $0x0  }
0x3e: {  	[sflag:s23] =	ssyncadd.s32 @!p0 $0xFFFFFC00  }
0x3f: {  	[spmem:s15] =	stream.linear.scatter @!p0 [tilespmem:s22], [sflag:$0x2], $0x400, $0x38;
	[tilespmem:$0x2F00] =	vst v63  }
0x40: {  	_ =	swait.ge @!p0 [sflag:s23], $0x400  }
0x41: {  	[sflag:s23] =	ssyncset.done @!p0 $0x0  }
0x42: {  	[sflag:s23] =	ssyncadd.s32 @!p0 $0xFFFFFC00  }
0x43: {  	[spmem:s16] =	stream.linear.scatter @!p0 [tilespmem:s22], [sflag:$0x2], $0x400, $0x38;
	[tilespmem:$0x2F00] =	vst v63  }
0x44: {  	_ =	swait.ge @!p0 [sflag:s23], $0x400  }
0x45: {  	[sflag:s23] =	ssyncset.done @!p0 $0x0  }
0x46: {  	[sflag:s23] =	ssyncadd.s32 @!p0 $0xFFFFFC00  }
0x47: {  	[spmem:s4] =	stream.linear.scatter @!p0 [tilespmem:s22], [sflag:$0x2], $0x310, $0x38;
	[tilespmem:$0x2F00] =	vst v63  }
0x48: {  	_ =	swait.ge @!p0 [sflag:s23], $0x310  }
0x49: {  	[sflag:s23] =	ssyncset.done @!p0 $0x0  }
0x4a: {  	[sflag:s23] =	ssyncadd.s32 @!p0 $0xFFFFFCF0  }
0x4b: {  	s22 =	simm.s32 $0x0;
	[bflag:$0x0] =	sbarrier.arrive $0xFFFF  }
.LBB2_4:
0x4c: {  	p3 =	sne.s32 s22, $0x9C00  }
.Ltmp1:
0x4d: {  	_ = 	snop;
	(pc) =	sbr.rel @p3 .LBB2_4-.Ltmp1, $3  }
0x4e: {  	_ =	sdelay $0x1  }
0x4f: {  	s23 =	sshra.s32 s22, $0x2;
	s22 =	sadd.s32 $0x200, s22  }
0x50: {  	[spmem:s1] =	stream.indirect.scatter.add.f32 [tilespmem:s19], [sflag:$0x1], $0x1, s23, s18, $0xb8;
	[tilespmem:$0x2F00] =	vst v63  }
0x51: {  	_ =	swait.ge [sflag:s20], $0x80  }
0x52: {  	s22 =	simm.s32 $0x4E;
	[sflag:s20] =	ssyncset.done $0x0  }
.LBB2_6:
0x53: {  	p3 =	sne.s32 s22, $0x1;
	s22 =	sadd.s32 $0xFFFFFFFF, s22;
	[sflag:s20] =	ssyncadd.s32 $0xFFFFFF80  }
.Ltmp2:
0x54: {  	(pc) =	sbr.rel @p3 .LBB2_6-.Ltmp2, $3  }
0x55: {  	_ =	sdelay $0x1  }
0x56: {  	_ =	swait.ge [sflag:s20], $0x80  }
0x57: {  	[sflag:s20] =	ssyncset.done $0x0  }
0x58: {  	[sflag:s20] =	ssyncadd.s32 $0xFFFFFF80  }
0x59: {  	s22 =	simm.s32 @!p2 $0x2880;
	s23 =	simm.s32 @!p2 $0x2;
	[bflag:$0x0] =	sbarrier.arrive $0xFFFF  }
0x5a: {  	[tilespmem:s22], [sflag:$0x2] =	stream.linear.gather @!p2 [spmem:s4], $0x310, $0x38;
	[tilespmem:$0x2F00] =	vst v63  }
0x5b: {  	_ =	swait.ge @!p2 [sflag:s23], $0x310  }
0x5c: {  	[sflag:s23] =	ssyncset.done @!p2 $0x0  }
0x5d: {  	s24 =	simm.s32 @!p2 $0x0;
	[sflag:s23] =	ssyncadd.s32 @!p2 $0xFFFFFCF0  }
0x5e: {  	[hbm4b:s5+s24] =	stream.linear.scatter @!p2 [tilespmem:s22], [sflag:$0x2], $0x310, $0x38;
	[tilespmem:$0x2F00] =	vst v63  }
0x5f: {  	_ =	swait.ge @!p2 [sflag:s23], $0x310  }
0x60: {  	[sflag:s23] =	ssyncset.done @!p2 $0x0  }
0x61: {  	s22 =	simm.s32 @!p1 $0x2880;
	[sflag:s23] =	ssyncadd.s32 @!p2 $0xFFFFFCF0;
	s23 =	simm.s32 @!p1 $0x2  }
0x62: {  	[tilespmem:s22], [sflag:$0x2] =	stream.linear.gather @!p1 [spmem:s6], $0x400, $0x38;
	[tilespmem:$0x2F00] =	vst v63  }
0x63: {  	s21 =	sadd.s32 $0x1, s21;
	_ =	swait.ge @!p1 [sflag:s23], $0x400  }
0x64: {  	p3 =	sne.s32 s21, s8;
	[sflag:s23] =	ssyncset.done @!p1 $0x0  }
.Ltmp3:
0x65: {  	s24 =	simm.s32 @!p1 $0x0;
	[sflag:s23] =	ssyncadd.s32 @!p1 $0xFFFFFC00;
	(pc) =	sbr.rel @p3 .LBB2_1-.Ltmp3, $4  }
0x66: {  	[hbm4b:s7+s24] =	stream.linear.scatter @!p1 [tilespmem:s22], [sflag:$0x2], $0x400, $0x38;
	[tilespmem:$0x2F00] =	vst v63  }
0x67: {  	_ =	swait.ge @!p1 [sflag:s23], $0x400  }
0x68: {  	[sflag:s23] =	ssyncset.done @!p1 $0x0  }
0x69: {  	[sflag:s23] =	ssyncadd.s32 @!p1 $0xFFFFFC00  }
0x6a: {  	_ =	sfence.sel $0x180000  }
0x6b: {  	[bflag:$0x0] =	sbarrier.arrive $0xFFFF  }
0x6c: {  	_ =	strace $0x90000047  }
0x6d: {  	s0 =	sadd.s32 @!p0 $0x100000, s0;
	[bflag:$0x2] =	sbarrier.arrive $0xFFFF  }
0x6e: {  	[sflag:s0] =	ssyncadd.tile.s32 @!p0 $0x1;
	_ =	shalt  }
.Lfunc_end2:
_tile_overlayer_lowered:
.L_overlay_start_2:
0x6f: {  	(tag) =	ssettag $0x2  }
0x70: {  	s0 =	rddreg [dreg:$0x0];
	s2 =	stileid.u32  }
0x71: {  	s1 =	rddreg [dreg:$0x1];
	p0 =	sne.s32 s2, $0x0  }
0x72: {  	s3 =	rddreg [dreg:$0x2];
	[bflag:$0x3] =	sbarrier.arrive $0xFFFF;
	s2 =	simm.s32 @!p0 $0x1C02  }
0x73: {  	[timem:s3], [sflag:s2] =	dma.local @!p0 [hbm:s0], s1  }
0x74: {  	s0 =	simm.s32 @!p0 $0x2  }
0x75: {  	_ =	swait.ge @!p0 [sflag:s0], s1  }
0x76: {  	s1 =	ssub.s32 @!p0 $0x0, s1;
	[sflag:s0] =	ssyncset.done @!p0 $0x0  }
0x77: {  	[sflag:s0] =	ssyncadd.s32 @!p0 s1  }
0x78: {  	[bflag:$0x3] =	sbarrier.arrive $0xFFFF  }
0x79: {  	_ =	shalt  }

// kernel: kernel.9.cloned.1.call-start
scs
__scs_entry_jumppad:
0x0: {  	(pc) =	sbr.rel $0x88, $3  }
0x1: {  	(tag) =	ssettag $0x0;
	lr =	simm.s32 $0x1  }
0x2: {  	[smem:$0x3F9B] =	sst lr;
	_ =	strace $0xD0000000  }
0x3: {  	_ = 	snop  }
0x4: {  	_ = 	snop  }
0x5: {  	_ = 	snop  }
0x6: {  	_ = 	snop  }
0x7: {  	_ = 	snop  }
__scs_overlays_trampoline_lowered:
0x8: {  	[smem:$0x3FAA] =	sst s0  }
0x9: {  	[smem:$0x3FAB] =	sst s1  }
0xa: {  	[smem:$0x3FAC] =	sst s2  }
0xb: {  	[smem:$0x3FAD] =	sst s3  }
0xc: {  	[smem:$0x3FAE] =	sst s4  }
0xd: {  	[smem:$0x3FAF] =	sst s5  }
0xe: {  	[smem:$0x3FB0] =	sst s6  }
0xf: {  	[smem:$0x3FB1] =	sst s7  }
0x10: {  	[smem:$0x3FB2] =	sst s8  }
0x11: {  	[smem:$0x3FB3] =	sst s9;
	s0 =	simm.s32 @!p0 $0x0  }
0x12: {  	s1 =	sld [smem:$0x3F99];
	s0 =	simm.s32 @p0 $0x1  }
0x13: {  	[smem:$0x3FB4] =	sst s0;
	s0 =	simm.s32 @!p1 $0x0  }
0x14: {  	s2 =	sld [smem:$0x3F98];
	s0 =	simm.s32 @p1 $0x1  }
0x15: {  	[smem:$0x3FB5] =	sst s0;
	s0 =	simm.s32 @!p2 $0x0  }
0x16: {  	s3 =	sld [smem:$0x3FDB];
	s0 =	simm.s32 @p2 $0x1  }
0x17: {  	s4 =	simm.s32 $0x1BF5;
	[smem:$0x3FB7] =	sst s0  }
0x18: {  	s0 =	sld [smem:$0x3F9A];
	_ =	swait.ge [sflag:s4], $0x0  }
0x19: {  	s7 =	sld [smem:$0x3F9B]  }
0x1a: {  	s8 =	sadd.s32 $0xFFFFE003, lr  }
0x1b: {  	s9 =	sadd.s32 $0xFFFFFEF7, lr;
	s5 =	simm.s32 $0xFFFFFFFF;
	p2 =	slt.u32 s8, $0xFFFFF086  }
0x1c: {  	p1 =	slt.u32 s9, $0xF7A;
	s5 =	simm.s32 @!p2 $0x0  }
0x1d: {  	s5 =	simm.s32 @p1 $0x1;
	p0 =	seq.s32 s7, s2  }
0x1e: {  	s7 =	smul.u32 @!p0 $0xF7A, s2;
	p2 =	seq.s32 @!p0 s5, $0x0  }
0x1f: {  	s9 =	smul.u32 $0xF7A, s1;
	s8 =	simm.s32 @!p0 $0x1BF5;
	p2 =	por !p2, p0  }
0x20: {  	[sflag:s8] =	ssyncset.s32 @!p0 $0xFFFFF086;
	s6 =	sadd.s32 @!p0 s3, s7;
	s7 =	simm.s32 @!p0 $0x108  }
0x21: {  	s3 =	sadd.s32 s3, s9;
	s6 =	sadd.s32 @!p0 $0x88, s6;
	s7 =	simm.s32 @p2 $0x1082  }
0x22: {  	[simem:s7], [sflag:s8] =	dma.local @!p0 [hbm:s6], $0xF7A  }
0x23: {  	s9 =	sor.u32 $0xD0000000, s2;
	s6 =	simm.s32 $0x108;
	_ =	swait.ge @!p0 [sflag:s8], $0x0  }
0x24: {  	s3 =	sadd.s32 $0x88, s3;
	s6 =	simm.s32 @!p1 $0x1082;
	[sflag:s4] =	ssyncset.s32 $0xFFFFF086  }
0x25: {  	[simem:s6], [sflag:s4] =	dma.local [hbm:s3], $0xF7A  }
0x26: {  	[smem:$0x3F9B] =	sst s1;
	(tag) =	ssettag s2;
	_ =	strace s9  }
0x27: {  	s1 =	sld [smem:$0x3FAB]  }
0x28: {  	s2 =	sld [smem:$0x3FAC]  }
0x29: {  	s4 =	sld [smem:$0x3FAE]  }
0x2a: {  	p0 =	seq.s32 s5, $0x0;
	s5 =	sld [smem:$0x3FAF]  }
0x2b: {  	s6 =	sld [smem:$0x3FB0]  }
0x2c: {  	s7 =	sld [smem:$0x3FB1]  }
0x2d: {  	s3 =	simm.s32 $0x108;
	s8 =	sld [smem:$0x3FB2]  }
0x2e: {  	s3 =	simm.s32 @!p0 $0x1082;
	s9 =	sld [smem:$0x3FB3]  }
0x2f: {  	lr =	sadd.s32 s0, s3;
	s0 =	sld [smem:$0x3FAA]  }
0x30: {  	s3 =	sld [smem:$0x3FAD]  }
0x31: {  	[smem:$0x3FB6] =	sst s10  }
0x32: {  	s10 =	sld [smem:$0x3FB4];
	_ =	sdelay $0x3  }
0x33: {  	p0 =	seq.s32 s10, $0x1;
	s10 =	sld [smem:$0x3FB6];
	_ =	sdelay $0x3  }
0x34: {  	[smem:$0x3FB6] =	sst s10  }
0x35: {  	s10 =	sld [smem:$0x3FB5];
	_ =	sdelay $0x3  }
0x36: {  	p1 =	seq.s32 s10, $0x1;
	s10 =	sld [smem:$0x3FB6];
	_ =	sdelay $0x3  }
0x37: {  	[smem:$0x3FB6] =	sst s10  }
0x38: {  	s10 =	sld [smem:$0x3FB7]  }
0x39: {  	_ = 	snop;
	(pc) =	sbr.ind lr, $3  }
0x3a: {  	_ = 	snop  }
0x3b: {  	_ = 	snop  }
0x3c: {  	p2 =	seq.s32 s10, $0x1;
	s10 =	sld [smem:$0x3FB6]  }
0x3d: {  	_ =	shalt  }
0x3e: {  	_ =	shalt  }
0x3f: {  	_ =	shalt  }
0x40: {  	_ =	shalt  }
0x41: {  	_ =	shalt  }
0x42: {  	_ =	shalt  }
0x43: {  	_ =	shalt  }
0x44: {  	_ =	shalt  }
0x45: {  	_ =	shalt  }
0x46: {  	_ =	shalt  }
0x47: {  	_ =	shalt  }
0x48: {  	_ =	shalt  }
0x49: {  	_ =	shalt  }
0x4a: {  	_ =	shalt  }
0x4b: {  	_ =	shalt  }
0x4c: {  	_ =	shalt  }
0x4d: {  	_ =	shalt  }
0x4e: {  	_ =	shalt  }
0x4f: {  	_ =	shalt  }
0x50: {  	_ =	shalt  }
0x51: {  	_ =	shalt  }
0x52: {  	_ =	shalt  }
0x53: {  	_ =	shalt  }
0x54: {  	_ =	shalt  }
0x55: {  	_ =	shalt  }
0x56: {  	_ =	shalt  }
0x57: {  	_ =	shalt  }
0x58: {  	_ =	shalt  }
0x59: {  	_ =	shalt  }
0x5a: {  	_ =	shalt  }
0x5b: {  	_ =	shalt  }
0x5c: {  	_ =	shalt  }
0x5d: {  	_ =	shalt  }
0x5e: {  	_ =	shalt  }
0x5f: {  	_ =	shalt  }
0x60: {  	_ =	shalt  }
0x61: {  	_ =	shalt  }
0x62: {  	_ =	shalt  }
0x63: {  	_ =	shalt  }
0x64: {  	_ =	shalt  }
0x65: {  	_ =	shalt  }
0x66: {  	_ =	shalt  }
0x67: {  	_ =	shalt  }
0x68: {  	_ =	shalt  }
0x69: {  	_ =	shalt  }
0x6a: {  	_ =	shalt  }
0x6b: {  	_ =	shalt  }
0x6c: {  	_ =	shalt  }
0x6d: {  	_ =	shalt  }
0x6e: {  	_ =	shalt  }
0x6f: {  	_ =	shalt  }
0x70: {  	_ =	shalt  }
0x71: {  	_ =	shalt  }
0x72: {  	_ =	shalt  }
0x73: {  	_ =	shalt  }
0x74: {  	_ =	shalt  }
0x75: {  	_ =	shalt  }
0x76: {  	_ =	shalt  }
0x77: {  	_ =	shalt  }
0x78: {  	_ =	shalt  }
0x79: {  	_ =	shalt  }
0x7a: {  	_ =	shalt  }
0x7b: {  	_ =	shalt  }
0x7c: {  	_ =	shalt  }
0x7d: {  	_ =	shalt  }
0x7e: {  	_ =	shalt  }
0x7f: {  	_ =	shalt  }
0x80: {  	_ =	shalt  }
0x81: {  	_ =	shalt  }
0x82: {  	_ =	shalt  }
0x83: {  	_ =	shalt  }
0x84: {  	_ =	shalt  }
0x85: {  	_ =	shalt  }
0x86: {  	_ =	shalt  }
0x87: {  	_ =	shalt  }
.Lfunc_end0:
.L_simem_size_0:
called_computation.1_lowered:
.L_overlay_start_0:
0x88: {  	s2 =	sld [smem:$0x3FD9]  }
0x89: {  	s3 =	sld [smem:$0x3FFE];
	_ =	sdelay $0x1  }
0x8a: {  	s1 =	srdreg.scid  }
0x8b: {  	s0 =	sand.u32 $0x1, s1  }
0x8c: {  	s17 =	sshll.u32 s0, $0xA;
	s2 =	sadd.s32 s3, s2  }
0x8d: {  	s2 =	sadd.s32 s2, s17  }
0x8e: {  	[smem:$0x3FC2] =	sst s2  }
0x8f: {  	_ = 	snop  }
0x90: {  	s2 =	sld [smem:$0x3FD0];
	(tm) =	ssettm $0x1  }
0x91: {  	s18 =	sld [smem:$0x3FFB];
	_ =	sdelay $0x3  }
0x92: {  	_ =	strace s18  }
0x93: {  	s3 =	sld [smem:$0x3FFC];
	_ =	sdelay $0x3  }
0x94: {  	_ =	strace s3  }
0x95: {  	s3 =	sld [smem:$0x3FFD];
	_ =	sdelay $0x3  }
0x96: {  	_ =	strace s3  }
0x97: {  	_ =	strace $0x8FFFFFFF  }
0x98: {  	s19 =	sld [smem:$0x3FDB];
	_ =	sdelay $0x1  }
0x99: {  	s4 =	simm.s32 $_scs_section_size  }
0x9a: {  	s5 =	simm.s32 $_size__tile_overlayer_lowered;
	s6 =	simm.s32 $_tile_overlayer_lowered  }
0x9b: {  	s22 =	simm.s32 $0x1BFF;
	s21 =	sshll.u32 s6, $0x1;
	s3 =	sadd.s32 s4, s19  }
0x9c: {  	s7 =	simm.s32 $0x0;
	s20 =	sshll.u32 s5, $0x1;
	s5 =	sadd.s32 s21, s3  }
0x9d: {  	[timem:s7], [sflag:s22] =	dma.local [hbm:s5], s20  }
0x9e: {  	_ =	swait.ge [sflag:s22], s20  }
0x9f: {  	s4 =	ssub.s32 $0x0, s20;
	[sflag:s22] =	ssyncset.done $0x0  }
0xa0: {  	[sflag:s22] =	ssyncadd.s32 s4;
	_ =	sdelay $0x1  }
0xa1: {  	s23 =	simm.s32 $0x1B8B  }
0xa2: {  	_ =	swait.ge [sflag:s23], $0x1  }
0xa3: {  	[sflag:s23] =	ssyncset.done $0x0  }
0xa4: {  	s25 =	simm.s32 $0x1B8E;
	s24 =	sld [smem:$0x3FFE];
	[sflag:s23] =	ssyncadd.s32 $0xFFFFFFFF  }
0xa5: {  	s26 =	simm.s32 $execute0_lowered;
	[smem:$0x3FD2] =	sst s25  }
0xa6: {  	s5 =	sshll.u32 s26, $0x1;
	_ =	strace $0x80000049;
	[dreg:$0x1] =	wrdreg $0xFFFFFFFF  }
0xa7: {  	s28 =	simm.s32 $_size_execute0_lowered;
	s3 =	sadd.s32 s3, s5;
	[dreg:$0x0] =	wrdreg $0x0  }
0xa8: {  	s5 =	sshll.u32 s28, $0x1;
	[dreg:$0x2] =	wrdreg s3  }
0xa9: {  	[dreg:$0x3] =	wrdreg s5  }
0xaa: {  	[dreg:$0x4] =	wrdreg $0xC0  }
0xab: {  	_ =	task [dreg:s7], $0x5FFFF  }
0xac: {  	[dreg:$0x1] =	wrdreg $0xFFFFFFFF  }
0xad: {  	[dreg:$0x0] =	wrdreg $0x60  }
0xae: {  	[dreg:$0x2] =	wrdreg s24  }
0xaf: {  	[dreg:$0x3] =	wrdreg s2  }
0xb0: {  	[dreg:$0x4] =	wrdreg $0xC4000  }
0xb1: {  	[dreg:$0x5] =	wrdreg $0x9  }
0xb2: {  	_ =	task.clear_ibuf [dreg:s7], $0x6FFFF;
	_ =	strace $0x90000049  }
0xb3: {  	s29 =	simm.s32 $0x9;
	_ =	strace $0x8000004B  }
0xb4: {  	_ =	swait.ge [sflag:s29], $0x1  }
0xb5: {  	[sflag:s29] =	ssyncadd.s32 $0xFFFFFFFF  }
0xb6: {  	_ =	strace $0x9000004B  }
0xb7: {  	_ =	sfence  }
0xb8: {  	s30 =	sld [smem:$0x0];
	_ =	sdelay $0x2  }
0xb9: {  	s31 =	sshll.u32 s1, $0xD;
	s1 =	sshrl.u32 s1, $0x2  }
0xba: {  	s3 =	sand.u32 $0x4000, s31;
	s1 =	sadd.s32 s1, s30  }
0xbb: {  	s0 =	sor.u32 s3, s0;
	s1 =	sshll.u32 s1, $0x11  }
0xbc: {  	s0 =	sor.u32 s1, s0  }
0xbd: {  	s0 =	sadd.s32 $0x8F2B, s0  }
0xbe: {  	[sflag:s0] =	ssyncadd.remote.s32 $0x1  }
0xbf: {  	_ =	sfence.sel $0xFFFF  }
0xc0: {  	[dreg:$0x0] =	wrdreg $0xFFFFFFFF;
	(pc) =	sbr.abs _section_cstart, $3  }
0xc1: {  	[dreg:$0x1] =	wrdreg $0xFFFFFFFF  }
0xc2: {  	_ =	task.clear_ibuf [dreg:s7], $0x2FFFF;
	_ =	strace $0x9FFFFFFF  }
0xc3: {  	(tm) =	ssettm $0x7FFFFFFF  }
tec
execute0_lowered:
.L_overlay_start_1:
0x0: {  	(tag) =	ssettag $0x1  }
0x1: {  	s0 =	rddreg [dreg:$0x0]  }
0x2: {  	s1 =	rddreg [dreg:$0x1]  }
0x3: {  	s2 =	rddreg [dreg:$0x2];
	s3 =	srdreg.scid;
	s4 =	simm.s32 $0x0  }
0x4: {  	s11 =	stileid.u32;
	s30 =	simm.s32 $0x300;
	s31 =	simm.s32 $0x3  }
0x5: {  	s3 =	sand.u32 $0x1, s3;
	[smem:$0x7FF] =	sst s4;
	s7 =	sadd.s32 $0xB800, s0  }
0x6: {  	s21 =	sshll.u32 s11, $0xE;
	s26 =	smul.u32 $0x2710, s11;
	s28 =	sadd.s32 $0x138000, s2  }
0x7: {  	s5 =	sshll.u32 s3, $0x4;
	_ =	strace $0x8000004A;
	s8 =	ssub.s32 $0x2, s3  }
0x8: {  	s10 =	smul.u32 $0x138800, s3;
	s23 =	sor.u32 $0x40000, s21;
	s25 =	sor.u32 $0x80000, s21  }
0x9: {  	s16 =	sor.u32 $0xC0000, s21;
	s3 =	smul.u32 $0x27100, s3;
	s5 =	sor.u32 s11, s5  }
0xa: {  	s9 =	sshrl.u32 s8, $0x1;
	s24 =	sadd.s32 s23, s2;
	s13 =	sadd.s32 s25, s2  }
0xb: {  	s14 =	sadd.s32 s16, s2;
	s6 =	smul.u32 $0x2710, s5;
	s5 =	sadd.s32 $0x1A00, s0  }
0xc: {  	s0 =	sadd.s32 $0x15600, s0;
	s8 =	ssub.s32 s8, s9;
	s20 =	sshrl.u32 s10, $0x3  }
0xd: {  	[dreg:$0x9] =	wrdreg s24;
	s16 =	sadd.s32 s10, s16;
	s3 =	sadd.s32 s26, s3  }
0xe: {  	s22 =	smax.u32 s8, $0x1;
	s8 =	sadd.s32 s10, s25;
	s26 =	sadd.s32 $0x180, s3  }
0xf: {  	s6 =	sshrl.u32 s6, $0x3;
	[dreg:$0x8] =	wrdreg s22;
	s29 =	sshrl.u32 s8, $0x3  }
0x10: {  	s8 =	sshrl.u32 s16, $0x3;
	s16 =	sadd.s32 $0x80, s3;
	[dreg:$0xf] =	wrdreg s26  }
0x11: {  	s26 =	simm.s32 $0x0;
	s17 =	sadd.s32 $0x4E0, s6;
	s19 =	sadd.s32 s5, s6  }
0x12: {  	s6 =	sadd.s32 s0, s20;
	s18 =	sadd.s32 s5, s17;
	[dreg:$0x4] =	wrdreg s19  }
0x13: {  	s20 =	sadd.s32 s21, s2;
	s9 =	sadd.s32 s7, s17;
	[dreg:$0x5] =	wrdreg s18  }
0x14: {  	s6 =	sadd.s32 $0x27000, s6;
	s17 =	sor.u32 $0x40, s11;
	[dreg:$0x6] =	wrdreg s9  }
0x15: {  	[dreg:$0x7] =	wrdreg s6;
	s18 =	sshll.u32 s17, $0xE;
	s9 =	sadd.s32 s10, s21  }
0x16: {  	s6 =	sadd.s32 s10, s23;
	p0 =	sgt.u32 s17, $0x4D;
	s17 =	sshrl.u32 s3, $0x3  }
0x17: {  	s15 =	sadd.s32 s18, s2;
	s9 =	sshrl.u32 s9, $0x3;
	s6 =	sshrl.u32 s6, $0x3  }
0x18: {  	s10 =	sadd.s32 s10, s18;
	s22 =	sadd.s32 s17, s7;
	s18 =	sadd.s32 $0x200, s3  }
0x19: {  	p1 =	sne.s32 @!p0 s11, $0x0;
	s17 =	simm.s32 $0x280;
	s9 =	sadd.s32 s0, s9  }
0x1a: {  	s6 =	sadd.s32 s0, s6;
	s25 =	sshrl.u32 s18, $0x3;
	[dreg:$0xa] =	wrdreg s9  }
0x1b: {  	p1 =	por p1, p0;
	[dreg:$0xb] =	wrdreg s6;
	s6 =	sadd.s32 s0, s29  }
0x1c: {  	s9 =	sshrl.u32 s10, $0x3;
	s10 =	sadd.s32 $0x100, s3;
	s25 =	sadd.s32 s25, s5  }
0x1d: {  	s29 =	sadd.s32 $0x10, s19;
	s3 =	simm.s32 $0x100;
	[dreg:$0xc] =	wrdreg s6  }
0x1e: {  	s6 =	sadd.s32 s0, s8;
	s0 =	sadd.s32 s0, s9;
	s12 =	sshrl.u32 s10, $0x3  }
.Ltmp0:
0x1f: {  	[dreg:$0x10] =	wrdreg s29;
	s8 =	simm.s32 $0x1;
	(pc) =	sbr.rel .LBB2_1-.Ltmp0, $4  }
0x20: {  	s9 =	simm.s32 $0x180;
	s10 =	simm.s32 $0x200;
	[dreg:$0xd] =	wrdreg s6  }
0x21: {  	[dreg:$0xe] =	wrdreg s0;
	s6 =	sshrl.u32 s16, $0x3;
	s23 =	sadd.s32 s12, s7  }
0x22: {  	s24 =	sadd.s32 s12, s5;
	s0 =	simm.s32 $0x80;
	s16 =	simm.s32 $0x2  }
0x23: {  	v0 =	vimm.f32 $0.0e+00;
	s21 =	sadd.s32 s6, s7;
	s7 =	simm.s32 $0x4300;
	s6 =	simm.s32 $0x8300  }
.LBB2_6:
0x24: {  	_ =	swait.ge [sflag:s16], $0x4000  }
0x25: {  	[sflag:s16] =	ssyncset.done $0x0  }
0x26: {  	s18 =	simm.s32 $0xC300;
	s11 =	rddreg [dreg:$0x5];
	[sflag:s16] =	ssyncadd.s32 $0xFFFFC000  }
0x27: {  	[tilespmem:s18], [sflag:$0x3] =	stream.linear.gather [hbm4b:s11+s4], $0x10, $0x38;
	[tilespmem:$0x1FC80] =	vst v63  }
0x28: {  	_ =	swait.ge [sflag:s31], $0x10  }
0x29: {  	[sflag:s31] =	ssyncset.done $0x0  }
0x2a: {  	s19 =	simm.s32 $0xC380;
	s20 =	rddreg [dreg:$0x6];
	[sflag:s31] =	ssyncadd.s32 $0xFFFFFFF0  }
0x2b: {  	[tilespmem:s19], [sflag:$0x3] =	stream.linear.gather [hbm4b:s20+s4], $0x10, $0x38;
	[tilespmem:$0x1FC80] =	vst v63  }
0x2c: {  	_ =	swait.ge [sflag:s31], $0x10  }
0x2d: {  	[sflag:s31] =	ssyncset.done $0x0  }
0x2e: {  	s29 =	simm.s32 $0x10;
	[sflag:s31] =	ssyncadd.s32 $0xFFFFFFF0  }
0x2f: {  	[tilespmem:s30], [sflag:$0x1] =	stream.indirect.gather [hbm4b:s1+s29], $0x80, s18, s29, $0xb8;
	[tilespmem:$0x1FC80] =	vst v63  }
0x30: {  	_ =	swait.ge [sflag:s8], $0x800  }
0x31: {  	[sflag:s8] =	ssyncset.done $0x0  }
0x32: {  	[sflag:s8] =	ssyncadd.s32 $0xFFFFF800  }
0x33: {  	[spmem:s2] =	stream.indirect.scatter.add.f32 [tilespmem:s30], [sflag:$0x3], $0x80, s19, s29, $0xb8;
	[tilespmem:$0x1FC80] =	vst v63  }
0x34: {  	_ =	swait.ge [sflag:s31], $0x800  }
0x35: {  	[sflag:s31] =	ssyncset.done $0x0  }
0x36: {  	s18 =	stileid.u32;
	[sflag:s31] =	ssyncadd.s32 $0xFFFFF800  }
0x37: {  	s11 =	sshll.u32 s18, $0x6;
	[bflag:$0x0] =	sbarrier.arrive $0xFFFF  }
0x38: {  	s11 =	sor.u32 $0x1C03, s11;
	s19 =	sshrl.u32 s12, $0x3;
	s29 =	rddreg [dreg:$0xa]  }
0x39: {  	[hbm:s29], [sflag:s11] =	dma.local [spmem:s19], $0x800  }
0x3a: {  	_ =	swait.ge [sflag:s31], $0x800  }
0x3b: {  	[sflag:s31] =	ssyncset.done $0x0;
	s18 =	rddreg [dreg:$0x9]  }
0x3c: {  	s29 =	rddreg [dreg:$0xb];
	[sflag:s31] =	ssyncadd.s32 $0xFFFFF800;
	s19 =	sshrl.u32 s18, $0x3  }
0x3d: {  	[hbm:s29], [sflag:s11] =	dma.local [spmem:s19], $0x800  }
0x3e: {  	_ =	swait.ge [sflag:s31], $0x800  }
0x3f: {  	[sflag:s31] =	ssyncset.done $0x0  }
0x40: {  	s19 =	sshrl.u32 s13, $0x3;
	s29 =	rddreg [dreg:$0xc];
	[sflag:s31] =	ssyncadd.s32 $0xFFFFF800  }
0x41: {  	[hbm:s29], [sflag:s11] =	dma.local [spmem:s19], $0x800  }
0x42: {  	_ =	swait.ge [sflag:s31], $0x800  }
0x43: {  	s20 =	smov.u32 s12;
	[sflag:s31] =	ssyncset.done $0x0  }
0x44: {  	s12 =	sshrl.u32 s14, $0x3;
	s19 =	rddreg [dreg:$0xd];
	[sflag:s31] =	ssyncadd.s32 $0xFFFFF800  }
0x45: {  	[hbm:s19], [sflag:s11] =	dma.local [spmem:s12], $0x800  }
0x46: {  	_ =	swait.ge [sflag:s31], $0x800  }
0x47: {  	[sflag:s31] =	ssyncset.done $0x0  }
0x48: {  	s18 =	sshrl.u32 @!p0 s15, $0x3;
	s12 =	rddreg [dreg:$0xe];
	[sflag:s31] =	ssyncadd.s32 $0xFFFFF800  }
0x49: {  	[hbm:s12], [sflag:s11] =	dma.local @!p0 [spmem:s18], $0x800  }
0x4a: {  	s11 =	simm.s32 @!p0 $0x3  }
0x4b: {  	_ =	swait.ge @!p0 [sflag:s11], $0x800  }
0x4c: {  	s18 =	simm.s32 @!p1 $0x1C03;
	[sflag:s11] =	ssyncset.done @!p0 $0x0  }
0x4d: {  	s19 =	rddreg [dreg:$0x7];
	[sflag:s11] =	ssyncadd.s32 @!p0 $0xFFFFF800;
	s11 =	sshrl.u32 @!p1 s28, $0x3  }
0x4e: {  	[hbm:s19], [sflag:s18] =	dma.local @!p1 [spmem:s11], $0x100  }
0x4f: {  	s11 =	simm.s32 @!p1 $0x3  }
0x50: {  	_ =	swait.ge @!p1 [sflag:s11], $0x100  }
0x51: {  	s26 =	sadd.s32 $0x1, s26;
	s29 =	rddreg [dreg:$0x8]  }
0x52: {  	p2 =	sne.s32 s26, s29  }
.Ltmp1:
0x53: {  	_ = 	snop;
	(pc) =	sbr.rel @!p2 .LBB2_7-.Ltmp1, $3  }
0x54: {  	_ =	sdelay $0x1  }
0x55: {  	[sflag:s11] =	ssyncset.done @!p1 $0x0  }
0x56: {  	[sflag:s11] =	ssyncadd.s32 @!p1 $0xFFFFFF00  }
.LBB2_1:
0x57: {  	s18 =	simm.s32 $0x0;
	s29 =	simm.s32 $0x200  }
.LBB2_2:
0x58: {  	p2 =	sne.s32 s29, $0xFE00;
	[tilespmem:s18+$0x370] =	vst v0  }
0x59: {  	[tilespmem:s18+$0x300] =	vst v0  }
0x5a: {  	[tilespmem:s18+$0x310] =	vst v0  }
.Ltmp2:
0x5b: {  	[tilespmem:s18+$0x320] =	vst v0;
	(pc) =	sbr.rel @p2 .LBB2_2-.Ltmp2, $4  }
0x5c: {  	[tilespmem:s18+$0x330] =	vst v0  }
0x5d: {  	[tilespmem:s18+$0x340] =	vst v0  }
0x5e: {  	[tilespmem:s18+$0x350] =	vst v0  }
0x5f: {  	[tilespmem:s18+$0x360] =	vst v0;
	s18 =	sshra.s32 s29, $0x2;
	s29 =	sadd.s32 $0x200, s29  }
0x60: {  	[tilespmem:s18+$0x370] =	vst v0  }
0x61: {  	[tilespmem:s18+$0x300] =	vst v0  }
0x62: {  	[tilespmem:s18+$0x310] =	vst v0  }
0x63: {  	[tilespmem:s18+$0x320] =	vst v0  }
0x64: {  	[tilespmem:s18+$0x330] =	vst v0  }
0x65: {  	[tilespmem:s18+$0x340] =	vst v0  }
0x66: {  	[tilespmem:s18+$0x350] =	vst v0  }
0x67: {  	[tilespmem:s18+$0x360] =	vst v0  }
0x68: {  	[spmem:s20] =	stream.linear.scatter [tilespmem:s30], [sflag:$0x3], $0x4000, $0x38;
	[tilespmem:$0x1FC80] =	vst v63  }
0x69: {  	_ =	swait.ge [sflag:s31], $0x4000  }
0x6a: {  	[sflag:s31] =	ssyncset.done $0x0  }
0x6b: {  	s11 =	rddreg [dreg:$0x9];
	[sflag:s31] =	ssyncadd.s32 $0xFFFFC000  }
0x6c: {  	[spmem:s11] =	stream.linear.scatter [tilespmem:s30], [sflag:$0x3], $0x4000, $0x38;
	[tilespmem:$0x1FC80] =	vst v63  }
0x6d: {  	_ =	swait.ge [sflag:s31], $0x4000  }
0x6e: {  	[sflag:s31] =	ssyncset.done $0x0  }
0x6f: {  	[sflag:s31] =	ssyncadd.s32 $0xFFFFC000  }
0x70: {  	[spmem:s13] =	stream.linear.scatter [tilespmem:s30], [sflag:$0x3], $0x4000, $0x38;
	[tilespmem:$0x1FC80] =	vst v63  }
0x71: {  	_ =	swait.ge [sflag:s31], $0x4000  }
0x72: {  	[sflag:s31] =	ssyncset.done $0x0  }
0x73: {  	[sflag:s31] =	ssyncadd.s32 $0xFFFFC000  }
0x74: {  	[spmem:s14] =	stream.linear.scatter [tilespmem:s30], [sflag:$0x3], $0x4000, $0x38;
	[tilespmem:$0x1FC80] =	vst v63  }
0x75: {  	_ =	swait.ge [sflag:s31], $0x4000  }
0x76: {  	[sflag:s31] =	ssyncset.done $0x0  }
0x77: {  	s18 =	simm.s32 @!p0 $0x300;
	[sflag:s31] =	ssyncadd.s32 $0xFFFFC000  }
0x78: {  	[spmem:s15] =	stream.linear.scatter @!p0 [tilespmem:s18], [sflag:$0x3], $0x4000, $0x38;
	[tilespmem:$0x1FC80] =	vst v63  }
0x79: {  	s18 =	simm.s32 @!p0 $0x3  }
0x7a: {  	_ =	swait.ge @!p0 [sflag:s18], $0x4000  }
0x7b: {  	[sflag:s18] =	ssyncset.done @!p0 $0x0  }
0x7c: {  	[sflag:s18] =	ssyncadd.s32 @!p0 $0xFFFFC000;
	s18 =	simm.s32 @!p1 $0x300  }
0x7d: {  	[spmem:s28] =	stream.linear.scatter @!p1 [tilespmem:s18], [sflag:$0x3], $0x800, $0x38;
	[tilespmem:$0x1FC80] =	vst v63  }
0x7e: {  	s18 =	simm.s32 @!p1 $0x3  }
0x7f: {  	_ =	swait.ge @!p1 [sflag:s18], $0x800  }
0x80: {  	[sflag:s18] =	ssyncset.done @!p1 $0x0  }
0x81: {  	[sflag:s18] =	ssyncadd.s32 @!p1 $0xFFFFF800  }
0x82: {  	[bflag:$0x0] =	sbarrier.arrive $0xFFFF  }
0x83: {  	s29 =	simm.s32 $0x0;
	s19 =	rddreg [dreg:$0x4]  }
0x84: {  	[tilespmem:s29], [sflag:$0x3] =	stream.linear.gather [hbm4b:s19+s29], $0x80, $0x38;
	[tilespmem:$0x1FC80] =	vst v63  }
0x85: {  	_ =	swait.ge [sflag:s31], $0x80  }
0x86: {  	[sflag:s31] =	ssyncset.done $0x0  }
0x87: {  	[sflag:s31] =	ssyncadd.s32 $0xFFFFFF80  }
0x88: {  	[tilespmem:s30], [sflag:$0x1] =	stream.indirect.gather [hbm4b:s1+s0], $0x80, s29, s0, $0xb8;
	[tilespmem:$0x1FC80] =	vst v63  }
0x89: {  	s12 =	smov.u32 s20;
	s20 =	rddreg [dreg:$0x10]  }
0x8a: {  	[tilespmem:s3], [sflag:$0x3] =	stream.linear.gather [hbm4b:s20+s29], $0x80, $0x38;
	[tilespmem:$0x1FC80] =	vst v63  }
0x8b: {  	_ =	swait.ge [sflag:s31], $0x80  }
0x8c: {  	[sflag:s31] =	ssyncset.done $0x0  }
0x8d: {  	s18 =	rddreg [dreg:$0xf];
	[sflag:s31] =	ssyncadd.s32 $0xFFFFFF80  }
0x8e: {  	[tilespmem:s7], [sflag:$0x1] =	stream.indirect.gather [hbm4b:s1+s0], $0x80, s3, s0, $0xb8;
	[tilespmem:$0x1FC80] =	vst v63  }
.LBB2_4:
0x8f: {  	s19 =	sadd.s32 s29, s22  }
0x90: {  	[tilespmem:s0], [sflag:$0x3] =	stream.linear.gather [hbm4b:s19+s4], $0x80, $0x38;
	[tilespmem:$0x1FC80] =	vst v63  }
0x91: {  	_ =	swait.ge [sflag:s31], $0x80  }
0x92: {  	[sflag:s31] =	ssyncset.done $0x0  }
0x93: {  	[sflag:s31] =	ssyncadd.s32 $0xFFFFFF80  }
0x94: {  	_ =	swait.ge [sflag:s8], $0x4000  }
0x95: {  	[sflag:s8] =	ssyncset.done $0x0  }
0x96: {  	[sflag:s8] =	ssyncadd.s32 $0xFFFFC000  }
0x97: {  	[spmem:s2] =	stream.indirect.scatter.add.f32 [tilespmem:s30], [sflag:$0x2], $0x80, s0, s0, $0xb8;
	[tilespmem:$0x1FC80] =	vst v63  }
0x98: {  	s20 =	sadd.s32 s29, s21  }
0x99: {  	[tilespmem:s9], [sflag:$0x3] =	stream.linear.gather [hbm4b:s20+s4], $0x80, $0x38;
	[tilespmem:$0x1FC80] =	vst v63  }
0x9a: {  	_ =	swait.ge [sflag:s31], $0x80  }
0x9b: {  	[sflag:s31] =	ssyncset.done $0x0  }
0x9c: {  	[sflag:s31] =	ssyncadd.s32 $0xFFFFFF80  }
0x9d: {  	_ =	swait.ge [sflag:s8], $0x4000  }
0x9e: {  	p2 =	seq.s32 s29, $0x0;
	[sflag:s8] =	ssyncset.done $0x0  }
0x9f: {  	s19 =	simm.s32 @!p2 $0x2;
	[sflag:s8] =	ssyncadd.s32 $0xFFFFC000  }
0xa0: {  	[spmem:s2] =	stream.indirect.scatter.add.f32 [tilespmem:s7], [sflag:$0x2], $0x80, s9, s0, $0xb8;
	[tilespmem:$0x1FC80] =	vst v63  }
0xa1: {  	_ =	swait.ge @!p2 [sflag:s19], $0x4000  }
0xa2: {  	[sflag:s19] =	ssyncset.done @!p2 $0x0  }
0xa3: {  	s11 =	sadd.s32 s29, s24;
	[sflag:s19] =	ssyncadd.s32 @!p2 $0xFFFFC000  }
0xa4: {  	[tilespmem:s10], [sflag:$0x3] =	stream.linear.gather [hbm4b:s11+s4], $0x80, $0x38;
	[tilespmem:$0x1FC80] =	vst v63  }
0xa5: {  	_ =	swait.ge [sflag:s31], $0x80  }
0xa6: {  	[sflag:s31] =	ssyncset.done $0x0  }
0xa7: {  	[sflag:s31] =	ssyncadd.s32 $0xFFFFFF80  }
0xa8: {  	[tilespmem:s6], [sflag:$0x1] =	stream.indirect.gather [hbm4b:s1+s0], $0x80, s10, s0, $0xb8;
	[tilespmem:$0x1FC80] =	vst v63  }
0xa9: {  	p2 =	seq.s32 s29, $0x4B0;
	_ =	swait.ge [sflag:s16], $0x4000  }
0xaa: {  	s19 =	sshrl.u32 @!p2 s18, $0x3;
	[sflag:s16] =	ssyncset.done $0x0  }
0xab: {  	s20 =	simm.s32 @!p2 $0x0;
	s19 =	sadd.s32 @!p2 s5, s19;
	[sflag:s16] =	ssyncadd.s32 $0xFFFFC000  }
0xac: {  	[tilespmem:s20], [sflag:$0x3] =	stream.linear.gather @!p2 [hbm4b:s19+s20], $0x80, $0x38;
	[tilespmem:$0x1FC80] =	vst v63  }
0xad: {  	s19 =	simm.s32 @!p2 $0x3  }
0xae: {  	_ =	swait.ge @!p2 [sflag:s19], $0x80  }
0xaf: {  	[sflag:s19] =	ssyncset.done @!p2 $0x0  }
0xb0: {  	s11 =	simm.s32 @!p2 $0x300;
	[sflag:s19] =	ssyncadd.s32 @!p2 $0xFFFFFF80;
	s19 =	simm.s32 @!p2 $0x80  }
0xb1: {  	[tilespmem:s11], [sflag:$0x1] =	stream.indirect.gather @!p2 [hbm4b:s1+s19], $0x80, s20, s19, $0xb8;
	[tilespmem:$0x1FC80] =	vst v63  }
0xb2: {  	s20 =	sadd.s32 s29, s23  }
0xb3: {  	[tilespmem:s17], [sflag:$0x3] =	stream.linear.gather [hbm4b:s20+s4], $0x80, $0x38;
	[tilespmem:$0x1FC80] =	vst v63  }
0xb4: {  	_ =	swait.ge [sflag:s31], $0x80  }
0xb5: {  	[sflag:s31] =	ssyncset.done $0x0  }
0xb6: {  	[sflag:s31] =	ssyncadd.s32 $0xFFFFFF80  }
0xb7: {  	_ =	swait.ge [sflag:s8], $0x4000  }
0xb8: {  	[sflag:s8] =	ssyncset.done $0x0  }
.Ltmp3:
0xb9: {  	[sflag:s8] =	ssyncadd.s32 $0xFFFFC000;
	(pc) =	sbr.rel @p2 .LBB2_6-.Ltmp3, $4  }
0xba: {  	[spmem:s2] =	stream.indirect.scatter.add.f32 [tilespmem:s6], [sflag:$0x2], $0x80, s17, s0, $0xb8;
	[tilespmem:$0x1FC80] =	vst v63  }
0xbb: {  	_ =	swait.ge [sflag:s16], $0x4000  }
0xbc: {  	[sflag:s16] =	ssyncset.done $0x0  }
0xbd: {  	[sflag:s16] =	ssyncadd.s32 $0xFFFFC000  }
0xbe: {  	s11 =	sadd.s32 s29, s25  }
0xbf: {  	[tilespmem:s3], [sflag:$0x3] =	stream.linear.gather [hbm4b:s11+s4], $0x80, $0x38;
	[tilespmem:$0x1FC80] =	vst v63  }
.Ltmp4:
0xc0: {  	_ = 	snop;
	(pc) =	sbr.rel .LBB2_4-.Ltmp4, $4  }
0xc1: {  	_ =	swait.ge [sflag:s31], $0x80  }
0xc2: {  	[sflag:s31] =	ssyncset.done $0x0  }
0xc3: {  	s29 =	sadd.s32 $0x30, s29;
	s18 =	sadd.s32 $0x180, s18;
	[sflag:s31] =	ssyncadd.s32 $0xFFFFFF80  }
0xc4: {  	[tilespmem:s7], [sflag:$0x1] =	stream.indirect.gather [hbm4b:s1+s0], $0x80, s3, s0, $0xb8;
	[tilespmem:$0x1FC80] =	vst v63  }
.LBB2_7:
0xc5: {  	_ =	sfence.sel $0x180000  }
0xc6: {  	[bflag:$0x0] =	sbarrier.arrive $0xFFFF  }
0xc7: {  	_ =	strace $0x9000004A  }
0xc8: {  	s0 =	stileid.u32;
	[bflag:$0x2] =	sbarrier.arrive $0xFFFF  }
0xc9: {  	p0 =	sne.s32 s0, $0x0;
	s0 =	rddreg [dreg:$0x3]  }
0xca: {  	s0 =	sadd.s32 @!p0 $0x100000, s0  }
0xcb: {  	[sflag:s0] =	ssyncadd.tile.s32 @!p0 $0x1;
	_ =	shalt  }
.Lfunc_end2:
_tile_overlayer_lowered:
.L_overlay_start_2:
0xcc: {  	(tag) =	ssettag $0x2  }
0xcd: {  	s0 =	rddreg [dreg:$0x0];
	s2 =	stileid.u32  }
0xce: {  	s1 =	rddreg [dreg:$0x1];
	p0 =	sne.s32 s2, $0x0  }
0xcf: {  	s3 =	rddreg [dreg:$0x2];
	[bflag:$0x3] =	sbarrier.arrive $0xFFFF;
	s2 =	simm.s32 @!p0 $0x1C03  }
0xd0: {  	[timem:s3], [sflag:s2] =	dma.local @!p0 [hbm:s0], s1  }
0xd1: {  	s0 =	simm.s32 @!p0 $0x3  }
0xd2: {  	_ =	swait.ge @!p0 [sflag:s0], s1  }
0xd3: {  	s1 =	ssub.s32 @!p0 $0x0, s1;
	[sflag:s0] =	ssyncset.done @!p0 $0x0  }
0xd4: {  	[sflag:s0] =	ssyncadd.s32 @!p0 s1  }
0xd5: {  	[bflag:$0x3] =	sbarrier.arrive $0xFFFF  }
0xd6: {  	_ =	shalt  }

</sc_bundles>
